<compile_context>
chip_gen: v7x
topology: tpu7x:2x2x1
jax: 0.10.2.dev20260603
libtpu: 0.0.44.dev20260713+nightly
codegen_flags: <defaults>
</compile_context>

<pallas_src>
import functools

import jax
import jax.numpy as jnp
from jax import lax
from jax.experimental import pallas as pl
from jax.experimental.pallas import tpu as pltpu
from jax.experimental.pallas import tpu_sc as plsc

N = 10000
E = 320000
D_IN = 128
H1 = 64
H2 = 32
D_OUT = 128

NC = 2
NS = 16
NW = NC * NS
NP = 10240
NPT = NP // NS
EPAD = NW * 10240 - E
EP = (E + EPAD) // NW
EPR = E // NW
PPT = EPAD // NW
CHUNK = 128
NCHUNK = EP // CHUNK
NB = 5

W1 = H1 + 16
W2 = H2


def _make_sc_scatter(W):
  mesh = plsc.VectorSubcoreMesh(core_axis_name="c", subcore_axis_name="s")

  @functools.partial(
      pl.kernel,
      out_type=jax.ShapeDtypeStruct((NC, NP, 128), jnp.float32),
      mesh=mesh,
      compiler_params=pltpu.CompilerParams(use_tc_tiling_on_sc=False),
      scratch_types=[
          pltpu.VMEM((EP,), jnp.int32),
          pltpu.VMEM((EP,), jnp.int32),
          [pltpu.VMEM((CHUNK, W), jnp.float32) for _ in range(NB)],
          pltpu.VMEM_SHARED((NP, W), jnp.float32),
          [pltpu.SemaphoreType.DMA for _ in range(NB)],
          [pltpu.SemaphoreType.DMA for _ in range(NB)],
          pltpu.SemaphoreType.DMA,
      ],
  )
  def sc_kernel(t_hbm, eflat_hbm, spad_hbm, dpad_hbm, zero_hbm, out_hbm,
                src_v, dst_v, rows, acc_s, gsem, ssem, semp):
    c = lax.axis_index("c")
    s = lax.axis_index("s")
    w = c * NS + s
    z = pltpu.async_copy(zero_hbm, acc_s.at[pl.ds(s * NPT, NPT)], semp)
    a = pltpu.async_copy(eflat_hbm.at[pl.ds(w * EPR, EPR)],
                         src_v.at[pl.ds(0, EPR)], semp)
    b = pltpu.async_copy(eflat_hbm.at[pl.ds(E + w * EPR, EPR)],
                         dst_v.at[pl.ds(0, EPR)], semp)
    ap = pltpu.async_copy(spad_hbm.at[pl.ds(w * PPT, PPT)],
                          src_v.at[pl.ds(EPR, PPT)], semp)
    bp = pltpu.async_copy(dpad_hbm.at[pl.ds(w * PPT, PPT)],
                          dst_v.at[pl.ds(EPR, PPT)], semp)
    z.wait()
    a.wait()
    b.wait()
    ap.wait()
    bp.wait()
    plsc.subcore_barrier()

    def gwait(b_):
      pltpu.make_async_copy(t_hbm.at[src_v.at[pl.ds(0, CHUNK)]], rows[b_],
                            gsem[b_]).wait()

    def swait(b_):
      pltpu.make_async_copy(rows[b_], acc_s.at[dst_v.at[pl.ds(0, CHUNK)]],
                            ssem[b_]).wait()

    for k in range(NB - 1):
      pltpu.async_copy(t_hbm.at[src_v.at[pl.ds(k * CHUNK, CHUNK)]], rows[k],
                       gsem[k])

    def body(jj, carry):
      j = NB * jj
      for k in range(NB):
        ck = j + k
        bp = (k + NB - 1) % NB
        gwait(k)
        pltpu.async_copy(rows[k], acc_s.at[dst_v.at[pl.ds(ck * CHUNK, CHUNK)]],
                         ssem[k], add=True)

        @pl.when(ck + NB - 1 < NCHUNK)
        def _(ck=ck, bp=bp, k=k):
          if k == 0:
            @pl.when(jj >= 1)
            def _():
              swait(bp)
          else:
            swait(bp)
          pltpu.async_copy(
              t_hbm.at[src_v.at[pl.ds((ck + NB - 1) * CHUNK, CHUNK)]],
              rows[bp], gsem[bp])

      return carry

    lax.fori_loop(0, NCHUNK // NB, body, 0)
    for k in range(NB):
      swait(k)
    plsc.subcore_barrier()
    pltpu.sync_copy(acc_s.at[pl.ds(s * NPT, NPT)],
                    out_hbm.at[c, pl.ds(s * NPT, NPT), pl.ds(0, W)])

  return sc_kernel


_R = 10000


def _tc_pre(x, Wl1, Wr1):
  def body(x_ref, wl_ref, wr_ref, taug_ref, r1_ref):
    xb = x_ref[...]
    t = jnp.dot(xb, wl_ref[...], preferred_element_type=jnp.float32)
    taug_ref[...] = jnp.concatenate(
        [t, jnp.ones((_R, 1), jnp.float32),
         jnp.zeros((_R, W1 - H1 - 1), jnp.float32)], axis=1)
    r1_ref[...] = jnp.dot(xb, wr_ref[...], preferred_element_type=jnp.float32)

  return pl.pallas_call(
      body,
      grid=(N // _R,),
      in_specs=[pl.BlockSpec((_R, D_IN), lambda i: (i, 0)),
                pl.BlockSpec((D_IN, H1), lambda i: (0, 0)),
                pl.BlockSpec((D_IN, H1), lambda i: (0, 0))],
      out_specs=[pl.BlockSpec((_R, W1), lambda i: (i, 0)),
                 pl.BlockSpec((_R, H1), lambda i: (i, 0))],
      out_shape=[jax.ShapeDtypeStruct((N, W1), jnp.float32),
                 jax.ShapeDtypeStruct((N, H1), jnp.float32)],
  )(x, Wl1, Wr1)


def _tc_mid(parts1, r1, bl1, Wl2, Wr2):
  def body(p_ref, r1_ref, bl1_ref, wl2_ref, wr2_ref, t2_ref, r2_ref, cnt_ref):
    s1 = p_ref[0, :, :W1] + p_ref[1, :, :W1]
    cnt = jnp.maximum(s1[:, H1:H1 + 1], 1.0)
    mean = s1[:, :H1] / cnt
    h1 = jnp.maximum(mean + bl1_ref[...][None, :] + r1_ref[...], 0.0)
    t2_ref[...] = jnp.dot(h1, wl2_ref[...], preferred_element_type=jnp.float32)
    r2_ref[...] = jnp.dot(h1, wr2_ref[...], preferred_element_type=jnp.float32)
    cnt_ref[...] = jnp.broadcast_to(cnt, (_R, 8))

  return pl.pallas_call(
      body,
      grid=(N // _R,),
      in_specs=[pl.BlockSpec((NC, _R, 128), lambda i: (0, i, 0)),
                pl.BlockSpec((_R, H1), lambda i: (i, 0)),
                pl.BlockSpec((H1,), lambda i: (0,)),
                pl.BlockSpec((H1, H2), lambda i: (0, 0)),
                pl.BlockSpec((H1, H2), lambda i: (0, 0))],
      out_specs=[pl.BlockSpec((_R, H2), lambda i: (i, 0)),
                 pl.BlockSpec((_R, H2), lambda i: (i, 0)),
                 pl.BlockSpec((_R, 8), lambda i: (i, 0))],
      out_shape=[jax.ShapeDtypeStruct((N, H2), jnp.float32),
                 jax.ShapeDtypeStruct((N, H2), jnp.float32),
                 jax.ShapeDtypeStruct((N, 8), jnp.float32)],
  )(parts1, r1, bl1, Wl2, Wr2)


def _tc_post(parts2, cnt8, r2, bl2, Wfc, bfc):
  def body(p_ref, cnt_ref, r2_ref, bl2_ref, wfc_ref, bfc_ref, emb_ref, out_ref):
    s2 = p_ref[0, :, :H2] + p_ref[1, :, :H2]
    mean2 = s2 / cnt_ref[:, 0:1]
    h2 = jnp.maximum(mean2 + bl2_ref[...][None, :] + r2_ref[...], 0.0)
    emb_ref[...] = h2
    out_ref[...] = (jnp.dot(h2, wfc_ref[...], preferred_element_type=jnp.float32)
                    + bfc_ref[...][None, :])

  return pl.pallas_call(
      body,
      grid=(N // _R,),
      in_specs=[pl.BlockSpec((NC, _R, 128), lambda i: (0, i, 0)),
                pl.BlockSpec((_R, 8), lambda i: (i, 0)),
                pl.BlockSpec((_R, H2), lambda i: (i, 0)),
                pl.BlockSpec((H2,), lambda i: (0,)),
                pl.BlockSpec((H2, D_OUT), lambda i: (0, 0)),
                pl.BlockSpec((D_OUT,), lambda i: (0,))],
      out_specs=[pl.BlockSpec((_R, H2), lambda i: (i, 0)),
                 pl.BlockSpec((_R, D_OUT), lambda i: (i, 0))],
      out_shape=[jax.ShapeDtypeStruct((N, H2), jnp.float32),
                 jax.ShapeDtypeStruct((N, D_OUT), jnp.float32)],
  )(parts2, cnt8, r2, bl2, Wfc, bfc)


_sc_scatter_w1 = _make_sc_scatter(W1)
_sc_scatter_w2 = _make_sc_scatter(W2)


def kernel(x, edge_index, Wl1, bl1, Wr1, Wl2, bl2, Wr2, Wfc, bfc):
  eflat = jnp.reshape(edge_index, (2 * E,))
  spad = jnp.arange(EPAD, dtype=jnp.int32) % N
  dpad = N + (jnp.arange(EPAD, dtype=jnp.int32) % (NP - N))
  zeros1 = jnp.zeros((NPT, W1), jnp.float32)
  zeros2 = jnp.zeros((NPT, W2), jnp.float32)

  t1aug, r1 = _tc_pre(x, Wl1, Wr1)
  parts1 = _sc_scatter_w1(t1aug, eflat, spad, dpad, zeros1)
  t2, r2, cnt8 = _tc_mid(parts1, r1, bl1, Wl2, Wr2)
  parts2 = _sc_scatter_w2(t2, eflat, spad, dpad, zeros2)
  embedding, out = _tc_post(parts2, cnt8, r2, bl2, Wfc, bfc)
  return (embedding, out)

# --- scband reference (transcript-rebuilt; emitter-appended) ---
"""Pipeline reference for scband-graph-sage-5686536700270 (READ-ONLY COPY).

The authoritative reference and input builder live on the scoring server;
editing this copy changes nothing except your own understanding.
"""

import jax, jax.numpy as jnp
import numpy as np

N = 10000
E = 320000
D_IN = 128
H1 = 64
H2 = 32
D_OUT = 128


def setup_inputs(seed: int = 0) -> dict:
    key = jax.random.key(seed)
    ks = jax.random.split(key, 12)
    x = jax.random.normal(ks[0], (N, D_IN), dtype=jnp.float32)
    edge_index = jax.random.randint(ks[1], (2, E), 0, N, dtype=jnp.int32)
    s = 0.05
    Wl1 = jax.random.normal(ks[2], (D_IN, H1), dtype=jnp.float32) * s
    bl1 = jnp.zeros((H1,), dtype=jnp.float32)
    Wr1 = jax.random.normal(ks[3], (D_IN, H1), dtype=jnp.float32) * s
    Wl2 = jax.random.normal(ks[4], (H1, H2), dtype=jnp.float32) * s
    bl2 = jnp.zeros((H2,), dtype=jnp.float32)
    Wr2 = jax.random.normal(ks[5], (H1, H2), dtype=jnp.float32) * s
    Wfc = jax.random.normal(ks[6], (H2, D_OUT), dtype=jnp.float32) * s
    bfc = jnp.zeros((D_OUT,), dtype=jnp.float32)
    return {"x": x, "edge_index": edge_index, "Wl1": Wl1, "bl1": bl1, "Wr1": Wr1,
            "Wl2": Wl2, "bl2": bl2, "Wr2": Wr2, "Wfc": Wfc, "bfc": bfc}


def _sage_conv(x, src, dst, Wl, bl, Wr):
    # PyG SAGEConv with mean aggregation:
    # out = lin_l(mean_{j in N(i)} x_j) + lin_r(x_i); lin_l has bias, lin_r does not.
    msgs = x[src]  # gather source node features per edge
    summed = jax.ops.segment_sum(msgs, dst, num_segments=N)
    cnt = jax.ops.segment_sum(jnp.ones((src.shape[0], 1), x.dtype), dst, num_segments=N)
    mean = summed / jnp.maximum(cnt, 1.0)
    return mean @ Wl + bl + x @ Wr


def reference(x, edge_index, Wl1, bl1, Wr1, Wl2, bl2, Wr2, Wfc, bfc):
    src = edge_index[0]
    dst = edge_index[1]
    h = jax.nn.relu(_sage_conv(x, src, dst, Wl1, bl1, Wr1))
    h = jax.nn.relu(_sage_conv(h, src, dst, Wl2, bl2, Wr2))
    embedding = h
    out = h @ Wfc + bfc
    return (embedding, out)

if __name__ == "__main__":
    import jax
    _d = setup_inputs()
    print(jax.jit(kernel)(*tuple(_d.values())))

</pallas_src>

<mosaic_0001>
#map = affine_map<(d0, d1) -> (0, 0)>
#map1 = affine_map<(d0, d1) -> (0)>
#map2 = affine_map<(d0, d1) -> (0, 0, 0)>
module attributes {stable_mosaic.version = 14 : i64} {
  func.func @sc_kernel(%arg0: i32, %arg1: i32, %arg2: memref<10000x80xf32, #tpu.memory_space<hbm>>, %arg3: memref<640000xi32, #tpu.memory_space<hbm>>, %arg4: memref<7680xi32, #tpu.memory_space<hbm>>, %arg5: memref<7680xi32, #tpu.memory_space<hbm>>, %arg6: memref<640x80xf32, #tpu.memory_space<hbm>>, %arg7: memref<2x10240x128xf32, #tpu.memory_space<hbm>>, %arg8: memref<10240xi32, #tpu.memory_space<vmem>>, %arg9: memref<10240xi32, #tpu.memory_space<vmem>>, %arg10: memref<128x80xf32, #tpu.memory_space<vmem>>, %arg11: memref<128x80xf32, #tpu.memory_space<vmem>>, %arg12: memref<128x80xf32, #tpu.memory_space<vmem>>, %arg13: memref<128x80xf32, #tpu.memory_space<vmem>>, %arg14: memref<128x80xf32, #tpu.memory_space<vmem>>, %arg15: memref<10240x80xf32, #tpu.memory_space<vmem_shared>>, %arg16: memref<!tpu.dma_semaphore, #tpu.memory_space<semaphore_mem>>, %arg17: memref<!tpu.dma_semaphore, #tpu.memory_space<semaphore_mem>>, %arg18: memref<!tpu.dma_semaphore, #tpu.memory_space<semaphore_mem>>, %arg19: memref<!tpu.dma_semaphore, #tpu.memory_space<semaphore_mem>>, %arg20: memref<!tpu.dma_semaphore, #tpu.memory_space<semaphore_mem>>, %arg21: memref<!tpu.dma_semaphore, #tpu.memory_space<semaphore_mem>>, %arg22: memref<!tpu.dma_semaphore, #tpu.memory_space<semaphore_mem>>, %arg23: memref<!tpu.dma_semaphore, #tpu.memory_space<semaphore_mem>>, %arg24: memref<!tpu.dma_semaphore, #tpu.memory_space<semaphore_mem>>, %arg25: memref<!tpu.dma_semaphore, #tpu.memory_space<semaphore_mem>>, %arg26: memref<!tpu.dma_semaphore, #tpu.memory_space<semaphore_mem>>) attributes {dimension_semantics = [#tpu.dimension_semantics<core_parallel>, #tpu.dimension_semantics<subcore_parallel>], iteration_bounds = array<i64: 2, 16>, scalar_prefetch = 0 : i64, scratch_operands = 19 : i64, tpu.core_type = #tpu.core_type<sc_vector_subcore>, window_params = [{transform_indices = #map}, {transform_indices = #map1}, {transform_indices = #map1}, {transform_indices = #map1}, {transform_indices = #map}, {transform_indices = #map2}]} {
    %mul3A = arith.constant 16 : i32
    %mul3A_0 = arith.muli %arg0, %mul3A : i32
    %add3A = arith.addi %mul3A_0, %arg1 : i32
    %mul3A_1 = arith.constant 640 : i32
    %mul3A_2 = arith.muli %arg1, %mul3A_1 : i32
    %dma_start3A = arith.constant 0 : i32
    %dma_start3A_3 = tpu.memref_slice %arg15[%mul3A_2, %dma_start3A] : memref<10240x80xf32, #tpu.memory_space<vmem_shared>> -> memref<640x80xf32, #tpu.memory_space<vmem_shared>>
    tpu.enqueue_dma source(%arg6 : memref<640x80xf32, #tpu.memory_space<hbm>>) target(%dma_start3A_3 : memref<640x80xf32, #tpu.memory_space<vmem_shared>>) target_semaphore(%arg26 : memref<!tpu.dma_semaphore, #tpu.memory_space<semaphore_mem>>)
    %mul3A_4 = arith.constant 10000 : i32
    %mul3A_5 = arith.muli %add3A, %mul3A_4 : i32
    %dma_start3A_6 = arith.constant 0 : i32
    %dma_start3A_7 = tpu.memref_slice %arg8[%dma_start3A_6] : memref<10240xi32, #tpu.memory_space<vmem>> -> memref<10000xi32, #tpu.memory_space<vmem>>
    %dma_start3A_8 = tpu.memref_slice %arg3[%mul3A_5] : memref<640000xi32, #tpu.memory_space<hbm>> -> memref<10000xi32, #tpu.memory_space<hbm>>
    %dma_start3A_9 = arith.constant 0 : i32
    %dma_start3A_10 = tpu.memref_slice %arg8[%dma_start3A_9] : memref<10240xi32, #tpu.memory_space<vmem>> -> memref<10000xi32, #tpu.memory_space<vmem>>
    %dma_start3A_11 = tpu.memref_slice %arg3[%mul3A_5] : memref<640000xi32, #tpu.memory_space<hbm>> -> memref<10000xi32, #tpu.memory_space<hbm>>
    tpu.enqueue_dma source(%dma_start3A_11 : memref<10000xi32, #tpu.memory_space<hbm>>) target(%dma_start3A_10 : memref<10000xi32, #tpu.memory_space<vmem>>) target_semaphore(%arg26 : memref<!tpu.dma_semaphore, #tpu.memory_space<semaphore_mem>>)
    %mul3A_12 = arith.constant 10000 : i32
    %mul3A_13 = arith.muli %add3A, %mul3A_12 : i32
    %add3A_14 = arith.constant 320000 : i32
    %add3A_15 = arith.addi %add3A_14, %mul3A_13 : i32
    %dma_start3A_16 = arith.constant 0 : i32
    %dma_start3A_17 = tpu.memref_slice %arg9[%dma_start3A_16] : memref<10240xi32, #tpu.memory_space<vmem>> -> memref<10000xi32, #tpu.memory_space<vmem>>
    %dma_start3A_18 = tpu.memref_slice %arg3[%add3A_15] : memref<640000xi32, #tpu.memory_space<hbm>> -> memref<10000xi32, #tpu.memory_space<hbm>>
    %dma_start3A_19 = arith.constant 0 : i32
    %dma_start3A_20 = tpu.memref_slice %arg9[%dma_start3A_19] : memref<10240xi32, #tpu.memory_space<vmem>> -> memref<10000xi32, #tpu.memory_space<vmem>>
    %dma_start3A_21 = tpu.memref_slice %arg3[%add3A_15] : memref<640000xi32, #tpu.memory_space<hbm>> -> memref<10000xi32, #tpu.memory_space<hbm>>
    tpu.enqueue_dma source(%dma_start3A_21 : memref<10000xi32, #tpu.memory_space<hbm>>) target(%dma_start3A_20 : memref<10000xi32, #tpu.memory_space<vmem>>) target_semaphore(%arg26 : memref<!tpu.dma_semaphore, #tpu.memory_space<semaphore_mem>>)
    %mul3A_22 = arith.constant 240 : i32
    %mul3A_23 = arith.muli %add3A, %mul3A_22 : i32
    %dma_start3A_24 = arith.constant 10000 : i32
    %dma_start3A_25 = tpu.memref_slice %arg8[%dma_start3A_24] : memref<10240xi32, #tpu.memory_space<vmem>> -> memref<240xi32, #tpu.memory_space<vmem>>
    %dma_start3A_26 = tpu.memref_slice %arg4[%mul3A_23] : memref<7680xi32, #tpu.memory_space<hbm>> -> memref<240xi32, #tpu.memory_space<hbm>>
    %dma_start3A_27 = arith.constant 10000 : i32
    %dma_start3A_28 = tpu.memref_slice %arg8[%dma_start3A_27] : memref<10240xi32, #tpu.memory_space<vmem>> -> memref<240xi32, #tpu.memory_space<vmem>>
    %dma_start3A_29 = tpu.memref_slice %arg4[%mul3A_23] : memref<7680xi32, #tpu.memory_space<hbm>> -> memref<240xi32, #tpu.memory_space<hbm>>
    tpu.enqueue_dma source(%dma_start3A_29 : memref<240xi32, #tpu.memory_space<hbm>>) target(%dma_start3A_28 : memref<240xi32, #tpu.memory_space<vmem>>) target_semaphore(%arg26 : memref<!tpu.dma_semaphore, #tpu.memory_space<semaphore_mem>>)
    %mul3A_30 = arith.constant 240 : i32
    %mul3A_31 = arith.muli %add3A, %mul3A_30 : i32
    %dma_start3A_32 = arith.constant 10000 : i32
    %dma_start3A_33 = tpu.memref_slice %arg9[%dma_start3A_32] : memref<10240xi32, #tpu.memory_space<vmem>> -> memref<240xi32, #tpu.memory_space<vmem>>
    %dma_start3A_34 = tpu.memref_slice %arg5[%mul3A_31] : memref<7680xi32, #tpu.memory_space<hbm>> -> memref<240xi32, #tpu.memory_space<hbm>>
    %dma_start3A_35 = arith.constant 10000 : i32
    %dma_start3A_36 = tpu.memref_slice %arg9[%dma_start3A_35] : memref<10240xi32, #tpu.memory_space<vmem>> -> memref<240xi32, #tpu.memory_space<vmem>>
    %dma_start3A_37 = tpu.memref_slice %arg5[%mul3A_31] : memref<7680xi32, #tpu.memory_space<hbm>> -> memref<240xi32, #tpu.memory_space<hbm>>
    tpu.enqueue_dma source(%dma_start3A_37 : memref<240xi32, #tpu.memory_space<hbm>>) target(%dma_start3A_36 : memref<240xi32, #tpu.memory_space<vmem>>) target_semaphore(%arg26 : memref<!tpu.dma_semaphore, #tpu.memory_space<semaphore_mem>>)
    %dma_wait3A = arith.constant 0 : i32
    %dma_wait3A_38 = tpu.memref_slice %arg15[%mul3A_2, %dma_wait3A] : memref<10240x80xf32, #tpu.memory_space<vmem_shared>> -> memref<640x80xf32, #tpu.memory_space<vmem_shared>>
    tpu.wait_dma2 semaphore(%arg26 : memref<!tpu.dma_semaphore, #tpu.memory_space<semaphore_mem>>) src(%arg6 : memref<640x80xf32, #tpu.memory_space<hbm>>) dst(%dma_wait3A_38 : memref<640x80xf32, #tpu.memory_space<vmem_shared>>)
    %dma_wait3A_39 = arith.constant 0 : i32
    %dma_wait3A_40 = tpu.memref_slice %arg8[%dma_wait3A_39] : memref<10240xi32, #tpu.memory_space<vmem>> -> memref<10000xi32, #tpu.memory_space<vmem>>
    %dma_wait3A_41 = tpu.memref_slice %arg3[%mul3A_5] : memref<640000xi32, #tpu.memory_space<hbm>> -> memref<10000xi32, #tpu.memory_space<hbm>>
    %dma_wait3A_42 = arith.constant 0 : i32
    %dma_wait3A_43 = tpu.memref_slice %arg8[%dma_wait3A_42] : memref<10240xi32, #tpu.memory_space<vmem>> -> memref<10000xi32, #tpu.memory_space<vmem>>
    %dma_wait3A_44 = tpu.memref_slice %arg3[%mul3A_5] : memref<640000xi32, #tpu.memory_space<hbm>> -> memref<10000xi32, #tpu.memory_space<hbm>>
    tpu.wait_dma2 semaphore(%arg26 : memref<!tpu.dma_semaphore, #tpu.memory_space<semaphore_mem>>) src(%dma_wait3A_44 : memref<10000xi32, #tpu.memory_space<hbm>>) dst(%dma_wait3A_43 : memref<10000xi32, #tpu.memory_space<vmem>>)
    %dma_wait3A_45 = arith.constant 0 : i32
    %dma_wait3A_46 = tpu.memref_slice %arg9[%dma_wait3A_45] : memref<10240xi32, #tpu.memory_space<vmem>> -> memref<10000xi32, #tpu.memory_space<vmem>>
    %dma_wait3A_47 = tpu.memref_slice %arg3[%add3A_15] : memref<640000xi32, #tpu.memory_space<hbm>> -> memref<10000xi32, #tpu.memory_space<hbm>>
    %dma_wait3A_48 = arith.constant 0 : i32
    %dma_wait3A_49 = tpu.memref_slice %arg9[%dma_wait3A_48] : memref<10240xi32, #tpu.memory_space<vmem>> -> memref<10000xi32, #tpu.memory_space<vmem>>
    %dma_wait3A_50 = tpu.memref_slice %arg3[%add3A_15] : memref<640000xi32, #tpu.memory_space<hbm>> -> memref<10000xi32, #tpu.memory_space<hbm>>
    tpu.wait_dma2 semaphore(%arg26 : memref<!tpu.dma_semaphore, #tpu.memory_space<semaphore_mem>>) src(%dma_wait3A_50 : memref<10000xi32, #tpu.memory_space<hbm>>) dst(%dma_wait3A_49 : memref<10000xi32, #tpu.memory_space<vmem>>)
    %dma_wait3A_51 = arith.constant 10000 : i32
    %dma_wait3A_52 = tpu.memref_slice %arg8[%dma_wait3A_51] : memref<10240xi32, #tpu.memory_space<vmem>> -> memref<240xi32, #tpu.memory_space<vmem>>
    %dma_wait3A_53 = tpu.memref_slice %arg4[%mul3A_23] : memref<7680xi32, #tpu.memory_space<hbm>> -> memref<240xi32, #tpu.memory_space<hbm>>
    %dma_wait3A_54 = arith.constant 10000 : i32
    %dma_wait3A_55 = tpu.memref_slice %arg8[%dma_wait3A_54] : memref<10240xi32, #tpu.memory_space<vmem>> -> memref<240xi32, #tpu.memory_space<vmem>>
    %dma_wait3A_56 = tpu.memref_slice %arg4[%mul3A_23] : memref<7680xi32, #tpu.memory_space<hbm>> -> memref<240xi32, #tpu.memory_space<hbm>>
    tpu.wait_dma2 semaphore(%arg26 : memref<!tpu.dma_semaphore, #tpu.memory_space<semaphore_mem>>) src(%dma_wait3A_56 : memref<240xi32, #tpu.memory_space<hbm>>) dst(%dma_wait3A_55 : memref<240xi32, #tpu.memory_space<vmem>>)
    %dma_wait3A_57 = arith.constant 10000 : i32
    %dma_wait3A_58 = tpu.memref_slice %arg9[%dma_wait3A_57] : memref<10240xi32, #tpu.memory_space<vmem>> -> memref<240xi32, #tpu.memory_space<vmem>>
    %dma_wait3A_59 = tpu.memref_slice %arg5[%mul3A_31] : memref<7680xi32, #tpu.memory_space<hbm>> -> memref<240xi32, #tpu.memory_space<hbm>>
    %dma_wait3A_60 = arith.constant 10000 : i32
    %dma_wait3A_61 = tpu.memref_slice %arg9[%dma_wait3A_60] : memref<10240xi32, #tpu.memory_space<vmem>> -> memref<240xi32, #tpu.memory_space<vmem>>
    %dma_wait3A_62 = tpu.memref_slice %arg5[%mul3A_31] : memref<7680xi32, #tpu.memory_space<hbm>> -> memref<240xi32, #tpu.memory_space<hbm>>
    tpu.wait_dma2 semaphore(%arg26 : memref<!tpu.dma_semaphore, #tpu.memory_space<semaphore_mem>>) src(%dma_wait3A_62 : memref<240xi32, #tpu.memory_space<hbm>>) dst(%dma_wait3A_61 : memref<240xi32, #tpu.memory_space<vmem>>)
    %barrier3A = arith.constant 0 : index
    tpu.barrier barrier_id(%barrier3A)
    %dma_start3A_63 = arith.constant 0 : i32
    %dma_start3A_64 = tpu.memref_slice %arg8[%dma_start3A_63] : memref<10240xi32, #tpu.memory_space<vmem>> -> memref<128xi32, #tpu.memory_space<vmem>>
    %dma_start3A_65 = arith.constant 0 : i32
    %dma_start3A_66 = arith.constant 0 : i32
    %dma_start3A_67 = tpu.memref_slice %arg2[%dma_start3A_65, %dma_start3A_66] : memref<10000x80xf32, #tpu.memory_space<hbm>> -> memref<10000x80xf32, #tpu.memory_space<hbm>>
    tpu.enqueue_indirect_dma source(%dma_start3A_67 : memref<10000x80xf32, #tpu.memory_space<hbm>>) target(%arg10 : memref<128x80xf32, #tpu.memory_space<vmem>>) offsets(%dma_start3A_64 : memref<128xi32, #tpu.memory_space<vmem>>) semaphore(%arg16 : memref<!tpu.dma_semaphore, #tpu.memory_space<semaphore_mem>>)
    %dma_start3A_68 = arith.constant 128 : i32
    %dma_start3A_69 = tpu.memref_slice %arg8[%dma_start3A_68] : memref<10240xi32, #tpu.memory_space<vmem>> -> memref<128xi32, #tpu.memory_space<vmem>>
    %dma_start3A_70 = arith.constant 0 : i32
    %dma_start3A_71 = arith.constant 0 : i32
    %dma_start3A_72 = tpu.memref_slice %arg2[%dma_start3A_70, %dma_start3A_71] : memref<10000x80xf32, #tpu.memory_space<hbm>> -> memref<10000x80xf32, #tpu.memory_space<hbm>>
    tpu.enqueue_indirect_dma source(%dma_start3A_72 : memref<10000x80xf32, #tpu.memory_space<hbm>>) target(%arg11 : memref<128x80xf32, #tpu.memory_space<vmem>>) offsets(%dma_start3A_69 : memref<128xi32, #tpu.memory_space<vmem>>) semaphore(%arg17 : memref<!tpu.dma_semaphore, #tpu.memory_space<semaphore_mem>>)
    %dma_start3A_73 = arith.constant 256 : i32
    %dma_start3A_74 = tpu.memref_slice %arg8[%dma_start3A_73] : memref<10240xi32, #tpu.memory_space<vmem>> -> memref<128xi32, #tpu.memory_space<vmem>>
    %dma_start3A_75 = arith.constant 0 : i32
    %dma_start3A_76 = arith.constant 0 : i32
    %dma_start3A_77 = tpu.memref_slice %arg2[%dma_start3A_75, %dma_start3A_76] : memref<10000x80xf32, #tpu.memory_space<hbm>> -> memref<10000x80xf32, #tpu.memory_space<hbm>>
    tpu.enqueue_indirect_dma source(%dma_start3A_77 : memref<10000x80xf32, #tpu.memory_space<hbm>>) target(%arg12 : memref<128x80xf32, #tpu.memory_space<vmem>>) offsets(%dma_start3A_74 : memref<128xi32, #tpu.memory_space<vmem>>) semaphore(%arg18 : memref<!tpu.dma_semaphore, #tpu.memory_space<semaphore_mem>>)
    %dma_start3A_78 = arith.constant 384 : i32
    %dma_start3A_79 = tpu.memref_slice %arg8[%dma_start3A_78] : memref<10240xi32, #tpu.memory_space<vmem>> -> memref<128xi32, #tpu.memory_space<vmem>>
    %dma_start3A_80 = arith.constant 0 : i32
    %dma_start3A_81 = arith.constant 0 : i32
    %dma_start3A_82 = tpu.memref_slice %arg2[%dma_start3A_80, %dma_start3A_81] : memref<10000x80xf32, #tpu.memory_space<hbm>> -> memref<10000x80xf32, #tpu.memory_space<hbm>>
    tpu.enqueue_indirect_dma source(%dma_start3A_82 : memref<10000x80xf32, #tpu.memory_space<hbm>>) target(%arg13 : memref<128x80xf32, #tpu.memory_space<vmem>>) offsets(%dma_start3A_79 : memref<128xi32, #tpu.memory_space<vmem>>) semaphore(%arg19 : memref<!tpu.dma_semaphore, #tpu.memory_space<semaphore_mem>>)
    %scan3A = arith.constant 0 : i32
    %scan3A_83 = arith.constant 0 : i32
    %scan3A_84 = arith.constant 16 : i32
    %scan3A_85 = arith.addi %scan3A_83, %scan3A_84 : i32
    %scan3A_86 = arith.constant 1 : i32
    scf.for %scan3A_118 = %scan3A_83 to %scan3A_85 step %scan3A_86  : i32 {
      %mul3A_119 = arith.constant 5 : i32
      %mul3A_120 = arith.muli %mul3A_119, %scan3A_118 : i32
      %add3A_121 = arith.constant 0 : i32
      %add3A_122 = arith.addi %mul3A_120, %add3A_121 : i32
      %dma_wait3A_123 = arith.constant 0 : i32
      %dma_wait3A_124 = tpu.memref_slice %arg8[%dma_wait3A_123] : memref<10240xi32, #tpu.memory_space<vmem>> -> memref<128xi32, #tpu.memory_space<vmem>>
      %dma_wait3A_125 = arith.constant 0 : i32
      %dma_wait3A_126 = arith.constant 0 : i32
      %dma_wait3A_127 = tpu.memref_slice %arg2[%dma_wait3A_125, %dma_wait3A_126] : memref<10000x80xf32, #tpu.memory_space<hbm>> -> memref<10000x80xf32, #tpu.memory_space<hbm>>
      tpu.wait_indirect_dma semaphore(%arg16 : memref<!tpu.dma_semaphore, #tpu.memory_space<semaphore_mem>>) src(%dma_wait3A_127 : memref<10000x80xf32, #tpu.memory_space<hbm>>) dst(%arg10 : memref<128x80xf32, #tpu.memory_space<vmem>>)
      %mul3A_128 = arith.constant 128 : i32
      %mul3A_129 = arith.muli %add3A_122, %mul3A_128 : i32
      %dma_start3A_130 = tpu.memref_slice %arg9[%mul3A_129] : memref<10240xi32, #tpu.memory_space<vmem>> -> memref<128xi32, #tpu.memory_space<vmem>>
      %dma_start3A_131 = arith.constant 0 : i32
      %dma_start3A_132 = arith.constant 0 : i32
      %dma_start3A_133 = tpu.memref_slice %arg15[%dma_start3A_131, %dma_start3A_132] : memref<10240x80xf32, #tpu.memory_space<vmem_shared>> -> memref<10240x80xf32, #tpu.memory_space<vmem_shared>>
      tpu.enqueue_indirect_dma source(%arg10 : memref<128x80xf32, #tpu.memory_space<vmem>>) target(%dma_start3A_133 : memref<10240x80xf32, #tpu.memory_space<vmem_shared>>) offsets(%dma_start3A_130 : memref<128xi32, #tpu.memory_space<vmem>>) semaphore(%arg21 : memref<!tpu.dma_semaphore, #tpu.memory_space<semaphore_mem>>) {add = true}
      %add3A_134 = arith.constant 5 : i32
      %add3A_135 = arith.addi %add3A_122, %add3A_134 : i32
      %sub3A = arith.constant 1 : i32
      %sub3A_136 = arith.subi %add3A_135, %sub3A : i32
      %lt3A = arith.constant 80 : i32
      %lt3A_137 = arith.cmpi slt, %sub3A_136, %lt3A : i32
      %convert_element_type3A = arith.extui %lt3A_137 : i1 to i32
      %cond3A = arith.constant 0 : i32
      %cond3A_138 = arith.cmpi ne, %convert_element_type3A, %cond3A : i32
      scf.if %cond3A_138 {
        %ge3A = arith.constant 1 : i32
        %ge3A_227 = arith.cmpi sge, %scan3A_118, %ge3A : i32
        %convert_element_type3A_228 = arith.extui %ge3A_227 : i1 to i32
        %cond3A_229 = arith.constant 0 : i32
        %cond3A_230 = arith.cmpi ne, %convert_element_type3A_228, %cond3A_229 : i32
        scf.if %cond3A_230 {
          %dma_wait3A_241 = arith.constant 0 : i32
          %dma_wait3A_242 = tpu.memref_slice %arg9[%dma_wait3A_241] : memref<10240xi32, #tpu.memory_space<vmem>> -> memref<128xi32, #tpu.memory_space<vmem>>
          %dma_wait3A_243 = arith.constant 0 : i32
          %dma_wait3A_244 = arith.constant 0 : i32
          %dma_wait3A_245 = tpu.memref_slice %arg15[%dma_wait3A_243, %dma_wait3A_244] : memref<10240x80xf32, #tpu.memory_space<vmem_shared>> -> memref<10240x80xf32, #tpu.memory_space<vmem_shared>>
          tpu.wait_indirect_dma semaphore(%arg25 : memref<!tpu.dma_semaphore, #tpu.memory_space<semaphore_mem>>) src(%arg14 : memref<128x80xf32, #tpu.memory_space<vmem>>) dst(%dma_wait3A_245 : memref<10240x80xf32, #tpu.memory_space<vmem_shared>>)
        } else {
        }
        %add3A_231 = arith.constant 5 : i32
        %add3A_232 = arith.addi %add3A_122, %add3A_231 : i32
        %sub3A_233 = arith.constant 1 : i32
        %sub3A_234 = arith.subi %add3A_232, %sub3A_233 : i32
        %mul3A_235 = arith.constant 128 : i32
        %mul3A_236 = arith.muli %sub3A_234, %mul3A_235 : i32
        %dma_start3A_237 = tpu.memref_slice %arg8[%mul3A_236] : memref<10240xi32, #tpu.memory_space<vmem>> -> memref<128xi32, #tpu.memory_space<vmem>>
        %dma_start3A_238 = arith.constant 0 : i32
        %dma_start3A_239 = arith.constant 0 : i32
        %dma_start3A_240 = tpu.memref_slice %arg2[%dma_start3A_238, %dma_start3A_239] : memref<10000x80xf32, #tpu.memory_space<hbm>> -> memref<10000x80xf32, #tpu.memory_space<hbm>>
        tpu.enqueue_indirect_dma source(%dma_start3A_240 : memref<10000x80xf32, #tpu.memory_space<hbm>>) target(%arg14 : memref<128x80xf32, #tpu.memory_space<vmem>>) offsets(%dma_start3A_237 : memref<128xi32, #tpu.memory_space<vmem>>) semaphore(%arg20 : memref<!tpu.dma_semaphore, #tpu.memory_space<semaphore_mem>>)
      } else {
      }
      %add3A_139 = arith.constant 1 : i32
      %add3A_140 = arith.addi %mul3A_120, %add3A_139 : i32
      %dma_wait3A_141 = arith.constant 0 : i32
      %dma_wait3A_142 = tpu.memref_slice %arg8[%dma_wait3A_141] : memref<10240xi32, #tpu.memory_space<vmem>> -> memref<128xi32, #tpu.memory_space<vmem>>
      %dma_wait3A_143 = arith.constant 0 : i32
      %dma_wait3A_144 = arith.constant 0 : i32
      %dma_wait3A_145 = tpu.memref_slice %arg2[%dma_wait3A_143, %dma_wait3A_144] : memref<10000x80xf32, #tpu.memory_space<hbm>> -> memref<10000x80xf32, #tpu.memory_space<hbm>>
      tpu.wait_indirect_dma semaphore(%arg17 : memref<!tpu.dma_semaphore, #tpu.memory_space<semaphore_mem>>) src(%dma_wait3A_145 : memref<10000x80xf32, #tpu.memory_space<hbm>>) dst(%arg11 : memref<128x80xf32, #tpu.memory_space<vmem>>)
      %mul3A_146 = arith.constant 128 : i32
      %mul3A_147 = arith.muli %add3A_140, %mul3A_146 : i32
      %dma_start3A_148 = tpu.memref_slice %arg9[%mul3A_147] : memref<10240xi32, #tpu.memory_space<vmem>> -> memref<128xi32, #tpu.memory_space<vmem>>
      %dma_start3A_149 = arith.constant 0 : i32
      %dma_start3A_150 = arith.constant 0 : i32
      %dma_start3A_151 = tpu.memref_slice %arg15[%dma_start3A_149, %dma_start3A_150] : memref<10240x80xf32, #tpu.memory_space<vmem_shared>> -> memref<10240x80xf32, #tpu.memory_space<vmem_shared>>
      tpu.enqueue_indirect_dma source(%arg11 : memref<128x80xf32, #tpu.memory_space<vmem>>) target(%dma_start3A_151 : memref<10240x80xf32, #tpu.memory_space<vmem_shared>>) offsets(%dma_start3A_148 : memref<128xi32, #tpu.memory_space<vmem>>) semaphore(%arg22 : memref<!tpu.dma_semaphore, #tpu.memory_space<semaphore_mem>>) {add = true}
      %add3A_152 = arith.constant 5 : i32
      %add3A_153 = arith.addi %add3A_140, %add3A_152 : i32
      %sub3A_154 = arith.constant 1 : i32
      %sub3A_155 = arith.subi %add3A_153, %sub3A_154 : i32
      %lt3A_156 = arith.constant 80 : i32
      %lt3A_157 = arith.cmpi slt, %sub3A_155, %lt3A_156 : i32
      %convert_element_type3A_158 = arith.extui %lt3A_157 : i1 to i32
      %cond3A_159 = arith.constant 0 : i32
      %cond3A_160 = arith.cmpi ne, %convert_element_type3A_158, %cond3A_159 : i32
      scf.if %cond3A_160 {
        %dma_wait3A_227 = arith.constant 0 : i32
        %dma_wait3A_228 = tpu.memref_slice %arg9[%dma_wait3A_227] : memref<10240xi32, #tpu.memory_space<vmem>> -> memref<128xi32, #tpu.memory_space<vmem>>
        %dma_wait3A_229 = arith.constant 0 : i32
        %dma_wait3A_230 = arith.constant 0 : i32
        %dma_wait3A_231 = tpu.memref_slice %arg15[%dma_wait3A_229, %dma_wait3A_230] : memref<10240x80xf32, #tpu.memory_space<vmem_shared>> -> memref<10240x80xf32, #tpu.memory_space<vmem_shared>>
        tpu.wait_indirect_dma semaphore(%arg21 : memref<!tpu.dma_semaphore, #tpu.memory_space<semaphore_mem>>) src(%arg10 : memref<128x80xf32, #tpu.memory_space<vmem>>) dst(%dma_wait3A_231 : memref<10240x80xf32, #tpu.memory_space<vmem_shared>>)
        %add3A_232 = arith.constant 5 : i32
        %add3A_233 = arith.addi %add3A_140, %add3A_232 : i32
        %sub3A_234 = arith.constant 1 : i32
        %sub3A_235 = arith.subi %add3A_233, %sub3A_234 : i32
        %mul3A_236 = arith.constant 128 : i32
        %mul3A_237 = arith.muli %sub3A_235, %mul3A_236 : i32
        %dma_start3A_238 = tpu.memref_slice %arg8[%mul3A_237] : memref<10240xi32, #tpu.memory_space<vmem>> -> memref<128xi32, #tpu.memory_space<vmem>>
        %dma_start3A_239 = arith.constant 0 : i32
        %dma_start3A_240 = arith.constant 0 : i32
        %dma_start3A_241 = tpu.memref_slice %arg2[%dma_start3A_239, %dma_start3A_240] : memref<10000x80xf32, #tpu.memory_space<hbm>> -> memref<10000x80xf32, #tpu.memory_space<hbm>>
        tpu.enqueue_indirect_dma source(%dma_start3A_241 : memref<10000x80xf32, #tpu.memory_space<hbm>>) target(%arg10 : memref<128x80xf32, #tpu.memory_space<vmem>>) offsets(%dma_start3A_238 : memref<128xi32, #tpu.memory_space<vmem>>) semaphore(%arg16 : memref<!tpu.dma_semaphore, #tpu.memory_space<semaphore_mem>>)
      } else {
      }
      %add3A_161 = arith.constant 2 : i32
      %add3A_162 = arith.addi %mul3A_120, %add3A_161 : i32
      %dma_wait3A_163 = arith.constant 0 : i32
      %dma_wait3A_164 = tpu.memref_slice %arg8[%dma_wait3A_163] : memref<10240xi32, #tpu.memory_space<vmem>> -> memref<128xi32, #tpu.memory_space<vmem>>
      %dma_wait3A_165 = arith.constant 0 : i32
      %dma_wait3A_166 = arith.constant 0 : i32
      %dma_wait3A_167 = tpu.memref_slice %arg2[%dma_wait3A_165, %dma_wait3A_166] : memref<10000x80xf32, #tpu.memory_space<hbm>> -> memref<10000x80xf32, #tpu.memory_space<hbm>>
      tpu.wait_indirect_dma semaphore(%arg18 : memref<!tpu.dma_semaphore, #tpu.memory_space<semaphore_mem>>) src(%dma_wait3A_167 : memref<10000x80xf32, #tpu.memory_space<hbm>>) dst(%arg12 : memref<128x80xf32, #tpu.memory_space<vmem>>)
      %mul3A_168 = arith.constant 128 : i32
      %mul3A_169 = arith.muli %add3A_162, %mul3A_168 : i32
      %dma_start3A_170 = tpu.memref_slice %arg9[%mul3A_169] : memref<10240xi32, #tpu.memory_space<vmem>> -> memref<128xi32, #tpu.memory_space<vmem>>
      %dma_start3A_171 = arith.constant 0 : i32
      %dma_start3A_172 = arith.constant 0 : i32
      %dma_start3A_173 = tpu.memref_slice %arg15[%dma_start3A_171, %dma_start3A_172] : memref<10240x80xf32, #tpu.memory_space<vmem_shared>> -> memref<10240x80xf32, #tpu.memory_space<vmem_shared>>
      tpu.enqueue_indirect_dma source(%arg12 : memref<128x80xf32, #tpu.memory_space<vmem>>) target(%dma_start3A_173 : memref<10240x80xf32, #tpu.memory_space<vmem_shared>>) offsets(%dma_start3A_170 : memref<128xi32, #tpu.memory_space<vmem>>) semaphore(%arg23 : memref<!tpu.dma_semaphore, #tpu.memory_space<semaphore_mem>>) {add = true}
      %add3A_174 = arith.constant 5 : i32
      %add3A_175 = arith.addi %add3A_162, %add3A_174 : i32
      %sub3A_176 = arith.constant 1 : i32
      %sub3A_177 = arith.subi %add3A_175, %sub3A_176 : i32
      %lt3A_178 = arith.constant 80 : i32
      %lt3A_179 = arith.cmpi slt, %sub3A_177, %lt3A_178 : i32
      %convert_element_type3A_180 = arith.extui %lt3A_179 : i1 to i32
      %cond3A_181 = arith.constant 0 : i32
      %cond3A_182 = arith.cmpi ne, %convert_element_type3A_180, %cond3A_181 : i32
      scf.if %cond3A_182 {
        %dma_wait3A_227 = arith.constant 0 : i32
        %dma_wait3A_228 = tpu.memref_slice %arg9[%dma_wait3A_227] : memref<10240xi32, #tpu.memory_space<vmem>> -> memref<128xi32, #tpu.memory_space<vmem>>
        %dma_wait3A_229 = arith.constant 0 : i32
        %dma_wait3A_230 = arith.constant 0 : i32
        %dma_wait3A_231 = tpu.memref_slice %arg15[%dma_wait3A_229, %dma_wait3A_230] : memref<10240x80xf32, #tpu.memory_space<vmem_shared>> -> memref<10240x80xf32, #tpu.memory_space<vmem_shared>>
        tpu.wait_indirect_dma semaphore(%arg22 : memref<!tpu.dma_semaphore, #tpu.memory_space<semaphore_mem>>) src(%arg11 : memref<128x80xf32, #tpu.memory_space<vmem>>) dst(%dma_wait3A_231 : memref<10240x80xf32, #tpu.memory_space<vmem_shared>>)
        %add3A_232 = arith.constant 5 : i32
        %add3A_233 = arith.addi %add3A_162, %add3A_232 : i32
        %sub3A_234 = arith.constant 1 : i32
        %sub3A_235 = arith.subi %add3A_233, %sub3A_234 : i32
        %mul3A_236 = arith.constant 128 : i32
        %mul3A_237 = arith.muli %sub3A_235, %mul3A_236 : i32
        %dma_start3A_238 = tpu.memref_slice %arg8[%mul3A_237] : memref<10240xi32, #tpu.memory_space<vmem>> -> memref<128xi32, #tpu.memory_space<vmem>>
        %dma_start3A_239 = arith.constant 0 : i32
        %dma_start3A_240 = arith.constant 0 : i32
        %dma_start3A_241 = tpu.memref_slice %arg2[%dma_start3A_239, %dma_start3A_240] : memref<10000x80xf32, #tpu.memory_space<hbm>> -> memref<10000x80xf32, #tpu.memory_space<hbm>>
        tpu.enqueue_indirect_dma source(%dma_start3A_241 : memref<10000x80xf32, #tpu.memory_space<hbm>>) target(%arg11 : memref<128x80xf32, #tpu.memory_space<vmem>>) offsets(%dma_start3A_238 : memref<128xi32, #tpu.memory_space<vmem>>) semaphore(%arg17 : memref<!tpu.dma_semaphore, #tpu.memory_space<semaphore_mem>>)
      } else {
      }
      %add3A_183 = arith.constant 3 : i32
      %add3A_184 = arith.addi %mul3A_120, %add3A_183 : i32
      %dma_wait3A_185 = arith.constant 0 : i32
      %dma_wait3A_186 = tpu.memref_slice %arg8[%dma_wait3A_185] : memref<10240xi32, #tpu.memory_space<vmem>> -> memref<128xi32, #tpu.memory_space<vmem>>
      %dma_wait3A_187 = arith.constant 0 : i32
      %dma_wait3A_188 = arith.constant 0 : i32
      %dma_wait3A_189 = tpu.memref_slice %arg2[%dma_wait3A_187, %dma_wait3A_188] : memref<10000x80xf32, #tpu.memory_space<hbm>> -> memref<10000x80xf32, #tpu.memory_space<hbm>>
      tpu.wait_indirect_dma semaphore(%arg19 : memref<!tpu.dma_semaphore, #tpu.memory_space<semaphore_mem>>) src(%dma_wait3A_189 : memref<10000x80xf32, #tpu.memory_space<hbm>>) dst(%arg13 : memref<128x80xf32, #tpu.memory_space<vmem>>)
      %mul3A_190 = arith.constant 128 : i32
      %mul3A_191 = arith.muli %add3A_184, %mul3A_190 : i32
      %dma_start3A_192 = tpu.memref_slice %arg9[%mul3A_191] : memref<10240xi32, #tpu.memory_space<vmem>> -> memref<128xi32, #tpu.memory_space<vmem>>
      %dma_start3A_193 = arith.constant 0 : i32
      %dma_start3A_194 = arith.constant 0 : i32
      %dma_start3A_195 = tpu.memref_slice %arg15[%dma_start3A_193, %dma_start3A_194] : memref<10240x80xf32, #tpu.memory_space<vmem_shared>> -> memref<10240x80xf32, #tpu.memory_space<vmem_shared>>
      tpu.enqueue_indirect_dma source(%arg13 : memref<128x80xf32, #tpu.memory_space<vmem>>) target(%dma_start3A_195 : memref<10240x80xf32, #tpu.memory_space<vmem_shared>>) offsets(%dma_start3A_192 : memref<128xi32, #tpu.memory_space<vmem>>) semaphore(%arg24 : memref<!tpu.dma_semaphore, #tpu.memory_space<semaphore_mem>>) {add = true}
      %add3A_196 = arith.constant 5 : i32
      %add3A_197 = arith.addi %add3A_184, %add3A_196 : i32
      %sub3A_198 = arith.constant 1 : i32
      %sub3A_199 = arith.subi %add3A_197, %sub3A_198 : i32
      %lt3A_200 = arith.constant 80 : i32
      %lt3A_201 = arith.cmpi slt, %sub3A_199, %lt3A_200 : i32
      %convert_element_type3A_202 = arith.extui %lt3A_201 : i1 to i32
      %cond3A_203 = arith.constant 0 : i32
      %cond3A_204 = arith.cmpi ne, %convert_element_type3A_202, %cond3A_203 : i32
      scf.if %cond3A_204 {
        %dma_wait3A_227 = arith.constant 0 : i32
        %dma_wait3A_228 = tpu.memref_slice %arg9[%dma_wait3A_227] : memref<10240xi32, #tpu.memory_space<vmem>> -> memref<128xi32, #tpu.memory_space<vmem>>
        %dma_wait3A_229 = arith.constant 0 : i32
        %dma_wait3A_230 = arith.constant 0 : i32
        %dma_wait3A_231 = tpu.memref_slice %arg15[%dma_wait3A_229, %dma_wait3A_230] : memref<10240x80xf32, #tpu.memory_space<vmem_shared>> -> memref<10240x80xf32, #tpu.memory_space<vmem_shared>>
        tpu.wait_indirect_dma semaphore(%arg23 : memref<!tpu.dma_semaphore, #tpu.memory_space<semaphore_mem>>) src(%arg12 : memref<128x80xf32, #tpu.memory_space<vmem>>) dst(%dma_wait3A_231 : memref<10240x80xf32, #tpu.memory_space<vmem_shared>>)
        %add3A_232 = arith.constant 5 : i32
        %add3A_233 = arith.addi %add3A_184, %add3A_232 : i32
        %sub3A_234 = arith.constant 1 : i32
        %sub3A_235 = arith.subi %add3A_233, %sub3A_234 : i32
        %mul3A_236 = arith.constant 128 : i32
        %mul3A_237 = arith.muli %sub3A_235, %mul3A_236 : i32
        %dma_start3A_238 = tpu.memref_slice %arg8[%mul3A_237] : memref<10240xi32, #tpu.memory_space<vmem>> -> memref<128xi32, #tpu.memory_space<vmem>>
        %dma_start3A_239 = arith.constant 0 : i32
        %dma_start3A_240 = arith.constant 0 : i32
        %dma_start3A_241 = tpu.memref_slice %arg2[%dma_start3A_239, %dma_start3A_240] : memref<10000x80xf32, #tpu.memory_space<hbm>> -> memref<10000x80xf32, #tpu.memory_space<hbm>>
        tpu.enqueue_indirect_dma source(%dma_start3A_241 : memref<10000x80xf32, #tpu.memory_space<hbm>>) target(%arg12 : memref<128x80xf32, #tpu.memory_space<vmem>>) offsets(%dma_start3A_238 : memref<128xi32, #tpu.memory_space<vmem>>) semaphore(%arg18 : memref<!tpu.dma_semaphore, #tpu.memory_space<semaphore_mem>>)
      } else {
      }
      %add3A_205 = arith.constant 4 : i32
      %add3A_206 = arith.addi %mul3A_120, %add3A_205 : i32
      %dma_wait3A_207 = arith.constant 0 : i32
      %dma_wait3A_208 = tpu.memref_slice %arg8[%dma_wait3A_207] : memref<10240xi32, #tpu.memory_space<vmem>> -> memref<128xi32, #tpu.memory_space<vmem>>
      %dma_wait3A_209 = arith.constant 0 : i32
      %dma_wait3A_210 = arith.constant 0 : i32
      %dma_wait3A_211 = tpu.memref_slice %arg2[%dma_wait3A_209, %dma_wait3A_210] : memref<10000x80xf32, #tpu.memory_space<hbm>> -> memref<10000x80xf32, #tpu.memory_space<hbm>>
      tpu.wait_indirect_dma semaphore(%arg20 : memref<!tpu.dma_semaphore, #tpu.memory_space<semaphore_mem>>) src(%dma_wait3A_211 : memref<10000x80xf32, #tpu.memory_space<hbm>>) dst(%arg14 : memref<128x80xf32, #tpu.memory_space<vmem>>)
      %mul3A_212 = arith.constant 128 : i32
      %mul3A_213 = arith.muli %add3A_206, %mul3A_212 : i32
      %dma_start3A_214 = tpu.memref_slice %arg9[%mul3A_213] : memref<10240xi32, #tpu.memory_space<vmem>> -> memref<128xi32, #tpu.memory_space<vmem>>
      %dma_start3A_215 = arith.constant 0 : i32
      %dma_start3A_216 = arith.constant 0 : i32
      %dma_start3A_217 = tpu.memref_slice %arg15[%dma_start3A_215, %dma_start3A_216] : memref<10240x80xf32, #tpu.memory_space<vmem_shared>> -> memref<10240x80xf32, #tpu.memory_space<vmem_shared>>
      tpu.enqueue_indirect_dma source(%arg14 : memref<128x80xf32, #tpu.memory_space<vmem>>) target(%dma_start3A_217 : memref<10240x80xf32, #tpu.memory_space<vmem_shared>>) offsets(%dma_start3A_214 : memref<128xi32, #tpu.memory_space<vmem>>) semaphore(%arg25 : memref<!tpu.dma_semaphore, #tpu.memory_space<semaphore_mem>>) {add = true}
      %add3A_218 = arith.constant 5 : i32
      %add3A_219 = arith.addi %add3A_206, %add3A_218 : i32
      %sub3A_220 = arith.constant 1 : i32
      %sub3A_221 = arith.subi %add3A_219, %sub3A_220 : i32
      %lt3A_222 = arith.constant 80 : i32
      %lt3A_223 = arith.cmpi slt, %sub3A_221, %lt3A_222 : i32
      %convert_element_type3A_224 = arith.extui %lt3A_223 : i1 to i32
      %cond3A_225 = arith.constant 0 : i32
      %cond3A_226 = arith.cmpi ne, %convert_element_type3A_224, %cond3A_225 : i32
      scf.if %cond3A_226 {
        %dma_wait3A_227 = arith.constant 0 : i32
        %dma_wait3A_228 = tpu.memref_slice %arg9[%dma_wait3A_227] : memref<10240xi32, #tpu.memory_space<vmem>> -> memref<128xi32, #tpu.memory_space<vmem>>
        %dma_wait3A_229 = arith.constant 0 : i32
        %dma_wait3A_230 = arith.constant 0 : i32
        %dma_wait3A_231 = tpu.memref_slice %arg15[%dma_wait3A_229, %dma_wait3A_230] : memref<10240x80xf32, #tpu.memory_space<vmem_shared>> -> memref<10240x80xf32, #tpu.memory_space<vmem_shared>>
        tpu.wait_indirect_dma semaphore(%arg24 : memref<!tpu.dma_semaphore, #tpu.memory_space<semaphore_mem>>) src(%arg13 : memref<128x80xf32, #tpu.memory_space<vmem>>) dst(%dma_wait3A_231 : memref<10240x80xf32, #tpu.memory_space<vmem_shared>>)
        %add3A_232 = arith.constant 5 : i32
        %add3A_233 = arith.addi %add3A_206, %add3A_232 : i32
        %sub3A_234 = arith.constant 1 : i32
        %sub3A_235 = arith.subi %add3A_233, %sub3A_234 : i32
        %mul3A_236 = arith.constant 128 : i32
        %mul3A_237 = arith.muli %sub3A_235, %mul3A_236 : i32
        %dma_start3A_238 = tpu.memref_slice %arg8[%mul3A_237] : memref<10240xi32, #tpu.memory_space<vmem>> -> memref<128xi32, #tpu.memory_space<vmem>>
        %dma_start3A_239 = arith.constant 0 : i32
        %dma_start3A_240 = arith.constant 0 : i32
        %dma_start3A_241 = tpu.memref_slice %arg2[%dma_start3A_239, %dma_start3A_240] : memref<10000x80xf32, #tpu.memory_space<hbm>> -> memref<10000x80xf32, #tpu.memory_space<hbm>>
        tpu.enqueue_indirect_dma source(%dma_start3A_241 : memref<10000x80xf32, #tpu.memory_space<hbm>>) target(%arg13 : memref<128x80xf32, #tpu.memory_space<vmem>>) offsets(%dma_start3A_238 : memref<128xi32, #tpu.memory_space<vmem>>) semaphore(%arg19 : memref<!tpu.dma_semaphore, #tpu.memory_space<semaphore_mem>>)
      } else {
      }
    }
    %scan3A_87 = arith.constant 16 : i32
    %dma_wait3A_88 = arith.constant 0 : i32
    %dma_wait3A_89 = tpu.memref_slice %arg9[%dma_wait3A_88] : memref<10240xi32, #tpu.memory_space<vmem>> -> memref<128xi32, #tpu.memory_space<vmem>>
    %dma_wait3A_90 = arith.constant 0 : i32
    %dma_wait3A_91 = arith.constant 0 : i32
    %dma_wait3A_92 = tpu.memref_slice %arg15[%dma_wait3A_90, %dma_wait3A_91] : memref<10240x80xf32, #tpu.memory_space<vmem_shared>> -> memref<10240x80xf32, #tpu.memory_space<vmem_shared>>
    tpu.wait_indirect_dma semaphore(%arg21 : memref<!tpu.dma_semaphore, #tpu.memory_space<semaphore_mem>>) src(%arg10 : memref<128x80xf32, #tpu.memory_space<vmem>>) dst(%dma_wait3A_92 : memref<10240x80xf32, #tpu.memory_space<vmem_shared>>)
    %dma_wait3A_93 = arith.constant 0 : i32
    %dma_wait3A_94 = tpu.memref_slice %arg9[%dma_wait3A_93] : memref<10240xi32, #tpu.memory_space<vmem>> -> memref<128xi32, #tpu.memory_space<vmem>>
    %dma_wait3A_95 = arith.constant 0 : i32
    %dma_wait3A_96 = arith.constant 0 : i32
    %dma_wait3A_97 = tpu.memref_slice %arg15[%dma_wait3A_95, %dma_wait3A_96] : memref<10240x80xf32, #tpu.memory_space<vmem_shared>> -> memref<10240x80xf32, #tpu.memory_space<vmem_shared>>
    tpu.wait_indirect_dma semaphore(%arg22 : memref<!tpu.dma_semaphore, #tpu.memory_space<semaphore_mem>>) src(%arg11 : memref<128x80xf32, #tpu.memory_space<vmem>>) dst(%dma_wait3A_97 : memref<10240x80xf32, #tpu.memory_space<vmem_shared>>)
    %dma_wait3A_98 = arith.constant 0 : i32
    %dma_wait3A_99 = tpu.memref_slice %arg9[%dma_wait3A_98] : memref<10240xi32, #tpu.memory_space<vmem>> -> memref<128xi32, #tpu.memory_space<vmem>>
    %dma_wait3A_100 = arith.constant 0 : i32
    %dma_wait3A_101 = arith.constant 0 : i32
    %dma_wait3A_102 = tpu.memref_slice %arg15[%dma_wait3A_100, %dma_wait3A_101] : memref<10240x80xf32, #tpu.memory_space<vmem_shared>> -> memref<10240x80xf32, #tpu.memory_space<vmem_shared>>
    tpu.wait_indirect_dma semaphore(%arg23 : memref<!tpu.dma_semaphore, #tpu.memory_space<semaphore_mem>>) src(%arg12 : memref<128x80xf32, #tpu.memory_space<vmem>>) dst(%dma_wait3A_102 : memref<10240x80xf32, #tpu.memory_space<vmem_shared>>)
    %dma_wait3A_103 = arith.constant 0 : i32
    %dma_wait3A_104 = tpu.memref_slice %arg9[%dma_wait3A_103] : memref<10240xi32, #tpu.memory_space<vmem>> -> memref<128xi32, #tpu.memory_space<vmem>>
    %dma_wait3A_105 = arith.constant 0 : i32
    %dma_wait3A_106 = arith.constant 0 : i32
    %dma_wait3A_107 = tpu.memref_slice %arg15[%dma_wait3A_105, %dma_wait3A_106] : memref<10240x80xf32, #tpu.memory_space<vmem_shared>> -> memref<10240x80xf32, #tpu.memory_space<vmem_shared>>
    tpu.wait_indirect_dma semaphore(%arg24 : memref<!tpu.dma_semaphore, #tpu.memory_space<semaphore_mem>>) src(%arg13 : memref<128x80xf32, #tpu.memory_space<vmem>>) dst(%dma_wait3A_107 : memref<10240x80xf32, #tpu.memory_space<vmem_shared>>)
    %dma_wait3A_108 = arith.constant 0 : i32
    %dma_wait3A_109 = tpu.memref_slice %arg9[%dma_wait3A_108] : memref<10240xi32, #tpu.memory_space<vmem>> -> memref<128xi32, #tpu.memory_space<vmem>>
    %dma_wait3A_110 = arith.constant 0 : i32
    %dma_wait3A_111 = arith.constant 0 : i32
    %dma_wait3A_112 = tpu.memref_slice %arg15[%dma_wait3A_110, %dma_wait3A_111] : memref<10240x80xf32, #tpu.memory_space<vmem_shared>> -> memref<10240x80xf32, #tpu.memory_space<vmem_shared>>
    tpu.wait_indirect_dma semaphore(%arg25 : memref<!tpu.dma_semaphore, #tpu.memory_space<semaphore_mem>>) src(%arg14 : memref<128x80xf32, #tpu.memory_space<vmem>>) dst(%dma_wait3A_112 : memref<10240x80xf32, #tpu.memory_space<vmem_shared>>)
    %barrier3A_113 = arith.constant 0 : index
    tpu.barrier barrier_id(%barrier3A_113)
    %mul3A_114 = arith.constant 640 : i32
    %mul3A_115 = arith.muli %arg1, %mul3A_114 : i32
    %mul3A_116 = arith.constant 640 : i32
    %mul3A_117 = arith.muli %arg1, %mul3A_116 : i32
    "tpu.region"() ({
      %run_scoped3A = tpu.sem_alloc : memref<!tpu.dma_semaphore, #tpu.memory_space<semaphore_mem>>
      %dma_start3A_118 = arith.constant 0 : i32
      %dma_start3A_119 = tpu.memref_slice %arg7[%arg0, %mul3A_117, %dma_start3A_118] : memref<2x10240x128xf32, #tpu.memory_space<hbm>> -> memref<1x640x80xf32, #tpu.memory_space<hbm>>
      %dma_start3A_120 = tpu.memref_squeeze %dma_start3A_119 : memref<1x640x80xf32, #tpu.memory_space<hbm>> -> memref<640x80xf32, #tpu.memory_space<hbm>>
      %dma_start3A_121 = arith.constant 0 : i32
      %dma_start3A_122 = tpu.memref_slice %arg15[%mul3A_115, %dma_start3A_121] : memref<10240x80xf32, #tpu.memory_space<vmem_shared>> -> memref<640x80xf32, #tpu.memory_space<vmem_shared>>
      tpu.enqueue_dma source(%dma_start3A_122 : memref<640x80xf32, #tpu.memory_space<vmem_shared>>) target(%dma_start3A_120 : memref<640x80xf32, #tpu.memory_space<hbm>>) target_semaphore(%run_scoped3A : memref<!tpu.dma_semaphore, #tpu.memory_space<semaphore_mem>>)
      %dma_wait3A_123 = arith.constant 0 : i32
      %dma_wait3A_124 = tpu.memref_slice %arg7[%arg0, %mul3A_117, %dma_wait3A_123] : memref<2x10240x128xf32, #tpu.memory_space<hbm>> -> memref<1x640x80xf32, #tpu.memory_space<hbm>>
      %dma_wait3A_125 = tpu.memref_squeeze %dma_wait3A_124 : memref<1x640x80xf32, #tpu.memory_space<hbm>> -> memref<640x80xf32, #tpu.memory_space<hbm>>
      %dma_wait3A_126 = arith.constant 0 : i32
      %dma_wait3A_127 = tpu.memref_slice %arg15[%mul3A_115, %dma_wait3A_126] : memref<10240x80xf32, #tpu.memory_space<vmem_shared>> -> memref<640x80xf32, #tpu.memory_space<vmem_shared>>
      tpu.wait_dma2 semaphore(%run_scoped3A : memref<!tpu.dma_semaphore, #tpu.memory_space<semaphore_mem>>) src(%dma_wait3A_127 : memref<640x80xf32, #tpu.memory_space<vmem_shared>>) dst(%dma_wait3A_125 : memref<640x80xf32, #tpu.memory_space<hbm>>)
      tpu.yield
    }) : () -> ()
    return
  }
}

#map = affine_map<(d0, d1) -> (0, 0)>
#map1 = affine_map<(d0, d1) -> (0)>
#map2 = affine_map<(d0, d1) -> (0, 0, 0)>
module attributes {stable_mosaic.version = 14 : i64} {
  func.func @sc_kernel(%arg0: i32, %arg1: i32, %arg2: memref<10000x32xf32, #tpu.memory_space<hbm>>, %arg3: memref<640000xi32, #tpu.memory_space<hbm>>, %arg4: memref<7680xi32, #tpu.memory_space<hbm>>, %arg5: memref<7680xi32, #tpu.memory_space<hbm>>, %arg6: memref<640x32xf32, #tpu.memory_space<hbm>>, %arg7: memref<2x10240x128xf32, #tpu.memory_space<hbm>>, %arg8: memref<10240xi32, #tpu.memory_space<vmem>>, %arg9: memref<10240xi32, #tpu.memory_space<vmem>>, %arg10: memref<128x32xf32, #tpu.memory_space<vmem>>, %arg11: memref<128x32xf32, #tpu.memory_space<vmem>>, %arg12: memref<128x32xf32, #tpu.memory_space<vmem>>, %arg13: memref<128x32xf32, #tpu.memory_space<vmem>>, %arg14: memref<128x32xf32, #tpu.memory_space<vmem>>, %arg15: memref<10240x32xf32, #tpu.memory_space<vmem_shared>>, %arg16: memref<!tpu.dma_semaphore, #tpu.memory_space<semaphore_mem>>, %arg17: memref<!tpu.dma_semaphore, #tpu.memory_space<semaphore_mem>>, %arg18: memref<!tpu.dma_semaphore, #tpu.memory_space<semaphore_mem>>, %arg19: memref<!tpu.dma_semaphore, #tpu.memory_space<semaphore_mem>>, %arg20: memref<!tpu.dma_semaphore, #tpu.memory_space<semaphore_mem>>, %arg21: memref<!tpu.dma_semaphore, #tpu.memory_space<semaphore_mem>>, %arg22: memref<!tpu.dma_semaphore, #tpu.memory_space<semaphore_mem>>, %arg23: memref<!tpu.dma_semaphore, #tpu.memory_space<semaphore_mem>>, %arg24: memref<!tpu.dma_semaphore, #tpu.memory_space<semaphore_mem>>, %arg25: memref<!tpu.dma_semaphore, #tpu.memory_space<semaphore_mem>>, %arg26: memref<!tpu.dma_semaphore, #tpu.memory_space<semaphore_mem>>) attributes {dimension_semantics = [#tpu.dimension_semantics<core_parallel>, #tpu.dimension_semantics<subcore_parallel>], iteration_bounds = array<i64: 2, 16>, scalar_prefetch = 0 : i64, scratch_operands = 19 : i64, tpu.core_type = #tpu.core_type<sc_vector_subcore>, window_params = [{transform_indices = #map}, {transform_indices = #map1}, {transform_indices = #map1}, {transform_indices = #map1}, {transform_indices = #map}, {transform_indices = #map2}]} {
    %mul3A = arith.constant 16 : i32
    %mul3A_0 = arith.muli %arg0, %mul3A : i32
    %add3A = arith.addi %mul3A_0, %arg1 : i32
    %mul3A_1 = arith.constant 640 : i32
    %mul3A_2 = arith.muli %arg1, %mul3A_1 : i32
    %dma_start3A = arith.constant 0 : i32
    %dma_start3A_3 = tpu.memref_slice %arg15[%mul3A_2, %dma_start3A] : memref<10240x32xf32, #tpu.memory_space<vmem_shared>> -> memref<640x32xf32, #tpu.memory_space<vmem_shared>>
    tpu.enqueue_dma source(%arg6 : memref<640x32xf32, #tpu.memory_space<hbm>>) target(%dma_start3A_3 : memref<640x32xf32, #tpu.memory_space<vmem_shared>>) target_semaphore(%arg26 : memref<!tpu.dma_semaphore, #tpu.memory_space<semaphore_mem>>)
    %mul3A_4 = arith.constant 10000 : i32
    %mul3A_5 = arith.muli %add3A, %mul3A_4 : i32
    %dma_start3A_6 = arith.constant 0 : i32
    %dma_start3A_7 = tpu.memref_slice %arg8[%dma_start3A_6] : memref<10240xi32, #tpu.memory_space<vmem>> -> memref<10000xi32, #tpu.memory_space<vmem>>
    %dma_start3A_8 = tpu.memref_slice %arg3[%mul3A_5] : memref<640000xi32, #tpu.memory_space<hbm>> -> memref<10000xi32, #tpu.memory_space<hbm>>
    %dma_start3A_9 = arith.constant 0 : i32
    %dma_start3A_10 = tpu.memref_slice %arg8[%dma_start3A_9] : memref<10240xi32, #tpu.memory_space<vmem>> -> memref<10000xi32, #tpu.memory_space<vmem>>
    %dma_start3A_11 = tpu.memref_slice %arg3[%mul3A_5] : memref<640000xi32, #tpu.memory_space<hbm>> -> memref<10000xi32, #tpu.memory_space<hbm>>
    tpu.enqueue_dma source(%dma_start3A_11 : memref<10000xi32, #tpu.memory_space<hbm>>) target(%dma_start3A_10 : memref<10000xi32, #tpu.memory_space<vmem>>) target_semaphore(%arg26 : memref<!tpu.dma_semaphore, #tpu.memory_space<semaphore_mem>>)
    %mul3A_12 = arith.constant 10000 : i32
    %mul3A_13 = arith.muli %add3A, %mul3A_12 : i32
    %add3A_14 = arith.constant 320000 : i32
    %add3A_15 = arith.addi %add3A_14, %mul3A_13 : i32
    %dma_start3A_16 = arith.constant 0 : i32
    %dma_start3A_17 = tpu.memref_slice %arg9[%dma_start3A_16] : memref<10240xi32, #tpu.memory_space<vmem>> -> memref<10000xi32, #tpu.memory_space<vmem>>
    %dma_start3A_18 = tpu.memref_slice %arg3[%add3A_15] : memref<640000xi32, #tpu.memory_space<hbm>> -> memref<10000xi32, #tpu.memory_space<hbm>>
    %dma_start3A_19 = arith.constant 0 : i32
    %dma_start3A_20 = tpu.memref_slice %arg9[%dma_start3A_19] : memref<10240xi32, #tpu.memory_space<vmem>> -> memref<10000xi32, #tpu.memory_space<vmem>>
    %dma_start3A_21 = tpu.memref_slice %arg3[%add3A_15] : memref<640000xi32, #tpu.memory_space<hbm>> -> memref<10000xi32, #tpu.memory_space<hbm>>
    tpu.enqueue_dma source(%dma_start3A_21 : memref<10000xi32, #tpu.memory_space<hbm>>) target(%dma_start3A_20 : memref<10000xi32, #tpu.memory_space<vmem>>) target_semaphore(%arg26 : memref<!tpu.dma_semaphore, #tpu.memory_space<semaphore_mem>>)
    %mul3A_22 = arith.constant 240 : i32
    %mul3A_23 = arith.muli %add3A, %mul3A_22 : i32
    %dma_start3A_24 = arith.constant 10000 : i32
    %dma_start3A_25 = tpu.memref_slice %arg8[%dma_start3A_24] : memref<10240xi32, #tpu.memory_space<vmem>> -> memref<240xi32, #tpu.memory_space<vmem>>
    %dma_start3A_26 = tpu.memref_slice %arg4[%mul3A_23] : memref<7680xi32, #tpu.memory_space<hbm>> -> memref<240xi32, #tpu.memory_space<hbm>>
    %dma_start3A_27 = arith.constant 10000 : i32
    %dma_start3A_28 = tpu.memref_slice %arg8[%dma_start3A_27] : memref<10240xi32, #tpu.memory_space<vmem>> -> memref<240xi32, #tpu.memory_space<vmem>>
    %dma_start3A_29 = tpu.memref_slice %arg4[%mul3A_23] : memref<7680xi32, #tpu.memory_space<hbm>> -> memref<240xi32, #tpu.memory_space<hbm>>
    tpu.enqueue_dma source(%dma_start3A_29 : memref<240xi32, #tpu.memory_space<hbm>>) target(%dma_start3A_28 : memref<240xi32, #tpu.memory_space<vmem>>) target_semaphore(%arg26 : memref<!tpu.dma_semaphore, #tpu.memory_space<semaphore_mem>>)
    %mul3A_30 = arith.constant 240 : i32
    %mul3A_31 = arith.muli %add3A, %mul3A_30 : i32
    %dma_start3A_32 = arith.constant 10000 : i32
    %dma_start3A_33 = tpu.memref_slice %arg9[%dma_start3A_32] : memref<10240xi32, #tpu.memory_space<vmem>> -> memref<240xi32, #tpu.memory_space<vmem>>
    %dma_start3A_34 = tpu.memref_slice %arg5[%mul3A_31] : memref<7680xi32, #tpu.memory_space<hbm>> -> memref<240xi32, #tpu.memory_space<hbm>>
    %dma_start3A_35 = arith.constant 10000 : i32
    %dma_start3A_36 = tpu.memref_slice %arg9[%dma_start3A_35] : memref<10240xi32, #tpu.memory_space<vmem>> -> memref<240xi32, #tpu.memory_space<vmem>>
    %dma_start3A_37 = tpu.memref_slice %arg5[%mul3A_31] : memref<7680xi32, #tpu.memory_space<hbm>> -> memref<240xi32, #tpu.memory_space<hbm>>
    tpu.enqueue_dma source(%dma_start3A_37 : memref<240xi32, #tpu.memory_space<hbm>>) target(%dma_start3A_36 : memref<240xi32, #tpu.memory_space<vmem>>) target_semaphore(%arg26 : memref<!tpu.dma_semaphore, #tpu.memory_space<semaphore_mem>>)
    %dma_wait3A = arith.constant 0 : i32
    %dma_wait3A_38 = tpu.memref_slice %arg15[%mul3A_2, %dma_wait3A] : memref<10240x32xf32, #tpu.memory_space<vmem_shared>> -> memref<640x32xf32, #tpu.memory_space<vmem_shared>>
    tpu.wait_dma2 semaphore(%arg26 : memref<!tpu.dma_semaphore, #tpu.memory_space<semaphore_mem>>) src(%arg6 : memref<640x32xf32, #tpu.memory_space<hbm>>) dst(%dma_wait3A_38 : memref<640x32xf32, #tpu.memory_space<vmem_shared>>)
    %dma_wait3A_39 = arith.constant 0 : i32
    %dma_wait3A_40 = tpu.memref_slice %arg8[%dma_wait3A_39] : memref<10240xi32, #tpu.memory_space<vmem>> -> memref<10000xi32, #tpu.memory_space<vmem>>
    %dma_wait3A_41 = tpu.memref_slice %arg3[%mul3A_5] : memref<640000xi32, #tpu.memory_space<hbm>> -> memref<10000xi32, #tpu.memory_space<hbm>>
    %dma_wait3A_42 = arith.constant 0 : i32
    %dma_wait3A_43 = tpu.memref_slice %arg8[%dma_wait3A_42] : memref<10240xi32, #tpu.memory_space<vmem>> -> memref<10000xi32, #tpu.memory_space<vmem>>
    %dma_wait3A_44 = tpu.memref_slice %arg3[%mul3A_5] : memref<640000xi32, #tpu.memory_space<hbm>> -> memref<10000xi32, #tpu.memory_space<hbm>>
    tpu.wait_dma2 semaphore(%arg26 : memref<!tpu.dma_semaphore, #tpu.memory_space<semaphore_mem>>) src(%dma_wait3A_44 : memref<10000xi32, #tpu.memory_space<hbm>>) dst(%dma_wait3A_43 : memref<10000xi32, #tpu.memory_space<vmem>>)
    %dma_wait3A_45 = arith.constant 0 : i32
    %dma_wait3A_46 = tpu.memref_slice %arg9[%dma_wait3A_45] : memref<10240xi32, #tpu.memory_space<vmem>> -> memref<10000xi32, #tpu.memory_space<vmem>>
    %dma_wait3A_47 = tpu.memref_slice %arg3[%add3A_15] : memref<640000xi32, #tpu.memory_space<hbm>> -> memref<10000xi32, #tpu.memory_space<hbm>>
    %dma_wait3A_48 = arith.constant 0 : i32
    %dma_wait3A_49 = tpu.memref_slice %arg9[%dma_wait3A_48] : memref<10240xi32, #tpu.memory_space<vmem>> -> memref<10000xi32, #tpu.memory_space<vmem>>
    %dma_wait3A_50 = tpu.memref_slice %arg3[%add3A_15] : memref<640000xi32, #tpu.memory_space<hbm>> -> memref<10000xi32, #tpu.memory_space<hbm>>
    tpu.wait_dma2 semaphore(%arg26 : memref<!tpu.dma_semaphore, #tpu.memory_space<semaphore_mem>>) src(%dma_wait3A_50 : memref<10000xi32, #tpu.memory_space<hbm>>) dst(%dma_wait3A_49 : memref<10000xi32, #tpu.memory_space<vmem>>)
    %dma_wait3A_51 = arith.constant 10000 : i32
    %dma_wait3A_52 = tpu.memref_slice %arg8[%dma_wait3A_51] : memref<10240xi32, #tpu.memory_space<vmem>> -> memref<240xi32, #tpu.memory_space<vmem>>
    %dma_wait3A_53 = tpu.memref_slice %arg4[%mul3A_23] : memref<7680xi32, #tpu.memory_space<hbm>> -> memref<240xi32, #tpu.memory_space<hbm>>
    %dma_wait3A_54 = arith.constant 10000 : i32
    %dma_wait3A_55 = tpu.memref_slice %arg8[%dma_wait3A_54] : memref<10240xi32, #tpu.memory_space<vmem>> -> memref<240xi32, #tpu.memory_space<vmem>>
    %dma_wait3A_56 = tpu.memref_slice %arg4[%mul3A_23] : memref<7680xi32, #tpu.memory_space<hbm>> -> memref<240xi32, #tpu.memory_space<hbm>>
    tpu.wait_dma2 semaphore(%arg26 : memref<!tpu.dma_semaphore, #tpu.memory_space<semaphore_mem>>) src(%dma_wait3A_56 : memref<240xi32, #tpu.memory_space<hbm>>) dst(%dma_wait3A_55 : memref<240xi32, #tpu.memory_space<vmem>>)
    %dma_wait3A_57 = arith.constant 10000 : i32
    %dma_wait3A_58 = tpu.memref_slice %arg9[%dma_wait3A_57] : memref<10240xi32, #tpu.memory_space<vmem>> -> memref<240xi32, #tpu.memory_space<vmem>>
    %dma_wait3A_59 = tpu.memref_slice %arg5[%mul3A_31] : memref<7680xi32, #tpu.memory_space<hbm>> -> memref<240xi32, #tpu.memory_space<hbm>>
    %dma_wait3A_60 = arith.constant 10000 : i32
    %dma_wait3A_61 = tpu.memref_slice %arg9[%dma_wait3A_60] : memref<10240xi32, #tpu.memory_space<vmem>> -> memref<240xi32, #tpu.memory_space<vmem>>
    %dma_wait3A_62 = tpu.memref_slice %arg5[%mul3A_31] : memref<7680xi32, #tpu.memory_space<hbm>> -> memref<240xi32, #tpu.memory_space<hbm>>
    tpu.wait_dma2 semaphore(%arg26 : memref<!tpu.dma_semaphore, #tpu.memory_space<semaphore_mem>>) src(%dma_wait3A_62 : memref<240xi32, #tpu.memory_space<hbm>>) dst(%dma_wait3A_61 : memref<240xi32, #tpu.memory_space<vmem>>)
    %barrier3A = arith.constant 0 : index
    tpu.barrier barrier_id(%barrier3A)
    %dma_start3A_63 = arith.constant 0 : i32
    %dma_start3A_64 = tpu.memref_slice %arg8[%dma_start3A_63] : memref<10240xi32, #tpu.memory_space<vmem>> -> memref<128xi32, #tpu.memory_space<vmem>>
    %dma_start3A_65 = arith.constant 0 : i32
    %dma_start3A_66 = arith.constant 0 : i32
    %dma_start3A_67 = tpu.memref_slice %arg2[%dma_start3A_65, %dma_start3A_66] : memref<10000x32xf32, #tpu.memory_space<hbm>> -> memref<10000x32xf32, #tpu.memory_space<hbm>>
    tpu.enqueue_indirect_dma source(%dma_start3A_67 : memref<10000x32xf32, #tpu.memory_space<hbm>>) target(%arg10 : memref<128x32xf32, #tpu.memory_space<vmem>>) offsets(%dma_start3A_64 : memref<128xi32, #tpu.memory_space<vmem>>) semaphore(%arg16 : memref<!tpu.dma_semaphore, #tpu.memory_space<semaphore_mem>>)
    %dma_start3A_68 = arith.constant 128 : i32
    %dma_start3A_69 = tpu.memref_slice %arg8[%dma_start3A_68] : memref<10240xi32, #tpu.memory_space<vmem>> -> memref<128xi32, #tpu.memory_space<vmem>>
    %dma_start3A_70 = arith.constant 0 : i32
    %dma_start3A_71 = arith.constant 0 : i32
    %dma_start3A_72 = tpu.memref_slice %arg2[%dma_start3A_70, %dma_start3A_71] : memref<10000x32xf32, #tpu.memory_space<hbm>> -> memref<10000x32xf32, #tpu.memory_space<hbm>>
    tpu.enqueue_indirect_dma source(%dma_start3A_72 : memref<10000x32xf32, #tpu.memory_space<hbm>>) target(%arg11 : memref<128x32xf32, #tpu.memory_space<vmem>>) offsets(%dma_start3A_69 : memref<128xi32, #tpu.memory_space<vmem>>) semaphore(%arg17 : memref<!tpu.dma_semaphore, #tpu.memory_space<semaphore_mem>>)
    %dma_start3A_73 = arith.constant 256 : i32
    %dma_start3A_74 = tpu.memref_slice %arg8[%dma_start3A_73] : memref<10240xi32, #tpu.memory_space<vmem>> -> memref<128xi32, #tpu.memory_space<vmem>>
    %dma_start3A_75 = arith.constant 0 : i32
    %dma_start3A_76 = arith.constant 0 : i32
    %dma_start3A_77 = tpu.memref_slice %arg2[%dma_start3A_75, %dma_start3A_76] : memref<10000x32xf32, #tpu.memory_space<hbm>> -> memref<10000x32xf32, #tpu.memory_space<hbm>>
    tpu.enqueue_indirect_dma source(%dma_start3A_77 : memref<10000x32xf32, #tpu.memory_space<hbm>>) target(%arg12 : memref<128x32xf32, #tpu.memory_space<vmem>>) offsets(%dma_start3A_74 : memref<128xi32, #tpu.memory_space<vmem>>) semaphore(%arg18 : memref<!tpu.dma_semaphore, #tpu.memory_space<semaphore_mem>>)
    %dma_start3A_78 = arith.constant 384 : i32
    %dma_start3A_79 = tpu.memref_slice %arg8[%dma_start3A_78] : memref<10240xi32, #tpu.memory_space<vmem>> -> memref<128xi32, #tpu.memory_space<vmem>>
    %dma_start3A_80 = arith.constant 0 : i32
    %dma_start3A_81 = arith.constant 0 : i32
    %dma_start3A_82 = tpu.memref_slice %arg2[%dma_start3A_80, %dma_start3A_81] : memref<10000x32xf32, #tpu.memory_space<hbm>> -> memref<10000x32xf32, #tpu.memory_space<hbm>>
    tpu.enqueue_indirect_dma source(%dma_start3A_82 : memref<10000x32xf32, #tpu.memory_space<hbm>>) target(%arg13 : memref<128x32xf32, #tpu.memory_space<vmem>>) offsets(%dma_start3A_79 : memref<128xi32, #tpu.memory_space<vmem>>) semaphore(%arg19 : memref<!tpu.dma_semaphore, #tpu.memory_space<semaphore_mem>>)
    %scan3A = arith.constant 0 : i32
    %scan3A_83 = arith.constant 0 : i32
    %scan3A_84 = arith.constant 16 : i32
    %scan3A_85 = arith.addi %scan3A_83, %scan3A_84 : i32
    %scan3A_86 = arith.constant 1 : i32
    scf.for %scan3A_118 = %scan3A_83 to %scan3A_85 step %scan3A_86  : i32 {
      %mul3A_119 = arith.constant 5 : i32
      %mul3A_120 = arith.muli %mul3A_119, %scan3A_118 : i32
      %add3A_121 = arith.constant 0 : i32
      %add3A_122 = arith.addi %mul3A_120, %add3A_121 : i32
      %dma_wait3A_123 = arith.constant 0 : i32
      %dma_wait3A_124 = tpu.memref_slice %arg8[%dma_wait3A_123] : memref<10240xi32, #tpu.memory_space<vmem>> -> memref<128xi32, #tpu.memory_space<vmem>>
      %dma_wait3A_125 = arith.constant 0 : i32
      %dma_wait3A_126 = arith.constant 0 : i32
      %dma_wait3A_127 = tpu.memref_slice %arg2[%dma_wait3A_125, %dma_wait3A_126] : memref<10000x32xf32, #tpu.memory_space<hbm>> -> memref<10000x32xf32, #tpu.memory_space<hbm>>
      tpu.wait_indirect_dma semaphore(%arg16 : memref<!tpu.dma_semaphore, #tpu.memory_space<semaphore_mem>>) src(%dma_wait3A_127 : memref<10000x32xf32, #tpu.memory_space<hbm>>) dst(%arg10 : memref<128x32xf32, #tpu.memory_space<vmem>>)
      %mul3A_128 = arith.constant 128 : i32
      %mul3A_129 = arith.muli %add3A_122, %mul3A_128 : i32
      %dma_start3A_130 = tpu.memref_slice %arg9[%mul3A_129] : memref<10240xi32, #tpu.memory_space<vmem>> -> memref<128xi32, #tpu.memory_space<vmem>>
      %dma_start3A_131 = arith.constant 0 : i32
      %dma_start3A_132 = arith.constant 0 : i32
      %dma_start3A_133 = tpu.memref_slice %arg15[%dma_start3A_131, %dma_start3A_132] : memref<10240x32xf32, #tpu.memory_space<vmem_shared>> -> memref<10240x32xf32, #tpu.memory_space<vmem_shared>>
      tpu.enqueue_indirect_dma source(%arg10 : memref<128x32xf32, #tpu.memory_space<vmem>>) target(%dma_start3A_133 : memref<10240x32xf32, #tpu.memory_space<vmem_shared>>) offsets(%dma_start3A_130 : memref<128xi32, #tpu.memory_space<vmem>>) semaphore(%arg21 : memref<!tpu.dma_semaphore, #tpu.memory_space<semaphore_mem>>) {add = true}
      %add3A_134 = arith.constant 5 : i32
      %add3A_135 = arith.addi %add3A_122, %add3A_134 : i32
      %sub3A = arith.constant 1 : i32
      %sub3A_136 = arith.subi %add3A_135, %sub3A : i32
      %lt3A = arith.constant 80 : i32
      %lt3A_137 = arith.cmpi slt, %sub3A_136, %lt3A : i32
      %convert_element_type3A = arith.extui %lt3A_137 : i1 to i32
      %cond3A = arith.constant 0 : i32
      %cond3A_138 = arith.cmpi ne, %convert_element_type3A, %cond3A : i32
      scf.if %cond3A_138 {
        %ge3A = arith.constant 1 : i32
        %ge3A_227 = arith.cmpi sge, %scan3A_118, %ge3A : i32
        %convert_element_type3A_228 = arith.extui %ge3A_227 : i1 to i32
        %cond3A_229 = arith.constant 0 : i32
        %cond3A_230 = arith.cmpi ne, %convert_element_type3A_228, %cond3A_229 : i32
        scf.if %cond3A_230 {
          %dma_wait3A_241 = arith.constant 0 : i32
          %dma_wait3A_242 = tpu.memref_slice %arg9[%dma_wait3A_241] : memref<10240xi32, #tpu.memory_space<vmem>> -> memref<128xi32, #tpu.memory_space<vmem>>
          %dma_wait3A_243 = arith.constant 0 : i32
          %dma_wait3A_244 = arith.constant 0 : i32
          %dma_wait3A_245 = tpu.memref_slice %arg15[%dma_wait3A_243, %dma_wait3A_244] : memref<10240x32xf32, #tpu.memory_space<vmem_shared>> -> memref<10240x32xf32, #tpu.memory_space<vmem_shared>>
          tpu.wait_indirect_dma semaphore(%arg25 : memref<!tpu.dma_semaphore, #tpu.memory_space<semaphore_mem>>) src(%arg14 : memref<128x32xf32, #tpu.memory_space<vmem>>) dst(%dma_wait3A_245 : memref<10240x32xf32, #tpu.memory_space<vmem_shared>>)
        } else {
        }
        %add3A_231 = arith.constant 5 : i32
        %add3A_232 = arith.addi %add3A_122, %add3A_231 : i32
        %sub3A_233 = arith.constant 1 : i32
        %sub3A_234 = arith.subi %add3A_232, %sub3A_233 : i32
        %mul3A_235 = arith.constant 128 : i32
        %mul3A_236 = arith.muli %sub3A_234, %mul3A_235 : i32
        %dma_start3A_237 = tpu.memref_slice %arg8[%mul3A_236] : memref<10240xi32, #tpu.memory_space<vmem>> -> memref<128xi32, #tpu.memory_space<vmem>>
        %dma_start3A_238 = arith.constant 0 : i32
        %dma_start3A_239 = arith.constant 0 : i32
        %dma_start3A_240 = tpu.memref_slice %arg2[%dma_start3A_238, %dma_start3A_239] : memref<10000x32xf32, #tpu.memory_space<hbm>> -> memref<10000x32xf32, #tpu.memory_space<hbm>>
        tpu.enqueue_indirect_dma source(%dma_start3A_240 : memref<10000x32xf32, #tpu.memory_space<hbm>>) target(%arg14 : memref<128x32xf32, #tpu.memory_space<vmem>>) offsets(%dma_start3A_237 : memref<128xi32, #tpu.memory_space<vmem>>) semaphore(%arg20 : memref<!tpu.dma_semaphore, #tpu.memory_space<semaphore_mem>>)
      } else {
      }
      %add3A_139 = arith.constant 1 : i32
      %add3A_140 = arith.addi %mul3A_120, %add3A_139 : i32
      %dma_wait3A_141 = arith.constant 0 : i32
      %dma_wait3A_142 = tpu.memref_slice %arg8[%dma_wait3A_141] : memref<10240xi32, #tpu.memory_space<vmem>> -> memref<128xi32, #tpu.memory_space<vmem>>
      %dma_wait3A_143 = arith.constant 0 : i32
      %dma_wait3A_144 = arith.constant 0 : i32
      %dma_wait3A_145 = tpu.memref_slice %arg2[%dma_wait3A_143, %dma_wait3A_144] : memref<10000x32xf32, #tpu.memory_space<hbm>> -> memref<10000x32xf32, #tpu.memory_space<hbm>>
      tpu.wait_indirect_dma semaphore(%arg17 : memref<!tpu.dma_semaphore, #tpu.memory_space<semaphore_mem>>) src(%dma_wait3A_145 : memref<10000x32xf32, #tpu.memory_space<hbm>>) dst(%arg11 : memref<128x32xf32, #tpu.memory_space<vmem>>)
      %mul3A_146 = arith.constant 128 : i32
      %mul3A_147 = arith.muli %add3A_140, %mul3A_146 : i32
      %dma_start3A_148 = tpu.memref_slice %arg9[%mul3A_147] : memref<10240xi32, #tpu.memory_space<vmem>> -> memref<128xi32, #tpu.memory_space<vmem>>
      %dma_start3A_149 = arith.constant 0 : i32
      %dma_start3A_150 = arith.constant 0 : i32
      %dma_start3A_151 = tpu.memref_slice %arg15[%dma_start3A_149, %dma_start3A_150] : memref<10240x32xf32, #tpu.memory_space<vmem_shared>> -> memref<10240x32xf32, #tpu.memory_space<vmem_shared>>
      tpu.enqueue_indirect_dma source(%arg11 : memref<128x32xf32, #tpu.memory_space<vmem>>) target(%dma_start3A_151 : memref<10240x32xf32, #tpu.memory_space<vmem_shared>>) offsets(%dma_start3A_148 : memref<128xi32, #tpu.memory_space<vmem>>) semaphore(%arg22 : memref<!tpu.dma_semaphore, #tpu.memory_space<semaphore_mem>>) {add = true}
      %add3A_152 = arith.constant 5 : i32
      %add3A_153 = arith.addi %add3A_140, %add3A_152 : i32
      %sub3A_154 = arith.constant 1 : i32
      %sub3A_155 = arith.subi %add3A_153, %sub3A_154 : i32
      %lt3A_156 = arith.constant 80 : i32
      %lt3A_157 = arith.cmpi slt, %sub3A_155, %lt3A_156 : i32
      %convert_element_type3A_158 = arith.extui %lt3A_157 : i1 to i32
      %cond3A_159 = arith.constant 0 : i32
      %cond3A_160 = arith.cmpi ne, %convert_element_type3A_158, %cond3A_159 : i32
      scf.if %cond3A_160 {
        %dma_wait3A_227 = arith.constant 0 : i32
        %dma_wait3A_228 = tpu.memref_slice %arg9[%dma_wait3A_227] : memref<10240xi32, #tpu.memory_space<vmem>> -> memref<128xi32, #tpu.memory_space<vmem>>
        %dma_wait3A_229 = arith.constant 0 : i32
        %dma_wait3A_230 = arith.constant 0 : i32
        %dma_wait3A_231 = tpu.memref_slice %arg15[%dma_wait3A_229, %dma_wait3A_230] : memref<10240x32xf32, #tpu.memory_space<vmem_shared>> -> memref<10240x32xf32, #tpu.memory_space<vmem_shared>>
        tpu.wait_indirect_dma semaphore(%arg21 : memref<!tpu.dma_semaphore, #tpu.memory_space<semaphore_mem>>) src(%arg10 : memref<128x32xf32, #tpu.memory_space<vmem>>) dst(%dma_wait3A_231 : memref<10240x32xf32, #tpu.memory_space<vmem_shared>>)
        %add3A_232 = arith.constant 5 : i32
        %add3A_233 = arith.addi %add3A_140, %add3A_232 : i32
        %sub3A_234 = arith.constant 1 : i32
        %sub3A_235 = arith.subi %add3A_233, %sub3A_234 : i32
        %mul3A_236 = arith.constant 128 : i32
        %mul3A_237 = arith.muli %sub3A_235, %mul3A_236 : i32
        %dma_start3A_238 = tpu.memref_slice %arg8[%mul3A_237] : memref<10240xi32, #tpu.memory_space<vmem>> -> memref<128xi32, #tpu.memory_space<vmem>>
        %dma_start3A_239 = arith.constant 0 : i32
        %dma_start3A_240 = arith.constant 0 : i32
        %dma_start3A_241 = tpu.memref_slice %arg2[%dma_start3A_239, %dma_start3A_240] : memref<10000x32xf32, #tpu.memory_space<hbm>> -> memref<10000x32xf32, #tpu.memory_space<hbm>>
        tpu.enqueue_indirect_dma source(%dma_start3A_241 : memref<10000x32xf32, #tpu.memory_space<hbm>>) target(%arg10 : memref<128x32xf32, #tpu.memory_space<vmem>>) offsets(%dma_start3A_238 : memref<128xi32, #tpu.memory_space<vmem>>) semaphore(%arg16 : memref<!tpu.dma_semaphore, #tpu.memory_space<semaphore_mem>>)
      } else {
      }
      %add3A_161 = arith.constant 2 : i32
      %add3A_162 = arith.addi %mul3A_120, %add3A_161 : i32
      %dma_wait3A_163 = arith.constant 0 : i32
      %dma_wait3A_164 = tpu.memref_slice %arg8[%dma_wait3A_163] : memref<10240xi32, #tpu.memory_space<vmem>> -> memref<128xi32, #tpu.memory_space<vmem>>
      %dma_wait3A_165 = arith.constant 0 : i32
      %dma_wait3A_166 = arith.constant 0 : i32
      %dma_wait3A_167 = tpu.memref_slice %arg2[%dma_wait3A_165, %dma_wait3A_166] : memref<10000x32xf32, #tpu.memory_space<hbm>> -> memref<10000x32xf32, #tpu.memory_space<hbm>>
      tpu.wait_indirect_dma semaphore(%arg18 : memref<!tpu.dma_semaphore, #tpu.memory_space<semaphore_mem>>) src(%dma_wait3A_167 : memref<10000x32xf32, #tpu.memory_space<hbm>>) dst(%arg12 : memref<128x32xf32, #tpu.memory_space<vmem>>)
      %mul3A_168 = arith.constant 128 : i32
      %mul3A_169 = arith.muli %add3A_162, %mul3A_168 : i32
      %dma_start3A_170 = tpu.memref_slice %arg9[%mul3A_169] : memref<10240xi32, #tpu.memory_space<vmem>> -> memref<128xi32, #tpu.memory_space<vmem>>
      %dma_start3A_171 = arith.constant 0 : i32
      %dma_start3A_172 = arith.constant 0 : i32
      %dma_start3A_173 = tpu.memref_slice %arg15[%dma_start3A_171, %dma_start3A_172] : memref<10240x32xf32, #tpu.memory_space<vmem_shared>> -> memref<10240x32xf32, #tpu.memory_space<vmem_shared>>
      tpu.enqueue_indirect_dma source(%arg12 : memref<128x32xf32, #tpu.memory_space<vmem>>) target(%dma_start3A_173 : memref<10240x32xf32, #tpu.memory_space<vmem_shared>>) offsets(%dma_start3A_170 : memref<128xi32, #tpu.memory_space<vmem>>) semaphore(%arg23 : memref<!tpu.dma_semaphore, #tpu.memory_space<semaphore_mem>>) {add = true}
      %add3A_174 = arith.constant 5 : i32
      %add3A_175 = arith.addi %add3A_162, %add3A_174 : i32
      %sub3A_176 = arith.constant 1 : i32
      %sub3A_177 = arith.subi %add3A_175, %sub3A_176 : i32
      %lt3A_178 = arith.constant 80 : i32
      %lt3A_179 = arith.cmpi slt, %sub3A_177, %lt3A_178 : i32
      %convert_element_type3A_180 = arith.extui %lt3A_179 : i1 to i32
      %cond3A_181 = arith.constant 0 : i32
      %cond3A_182 = arith.cmpi ne, %convert_element_type3A_180, %cond3A_181 : i32
      scf.if %cond3A_182 {
        %dma_wait3A_227 = arith.constant 0 : i32
        %dma_wait3A_228 = tpu.memref_slice %arg9[%dma_wait3A_227] : memref<10240xi32, #tpu.memory_space<vmem>> -> memref<128xi32, #tpu.memory_space<vmem>>
        %dma_wait3A_229 = arith.constant 0 : i32
        %dma_wait3A_230 = arith.constant 0 : i32
        %dma_wait3A_231 = tpu.memref_slice %arg15[%dma_wait3A_229, %dma_wait3A_230] : memref<10240x32xf32, #tpu.memory_space<vmem_shared>> -> memref<10240x32xf32, #tpu.memory_space<vmem_shared>>
        tpu.wait_indirect_dma semaphore(%arg22 : memref<!tpu.dma_semaphore, #tpu.memory_space<semaphore_mem>>) src(%arg11 : memref<128x32xf32, #tpu.memory_space<vmem>>) dst(%dma_wait3A_231 : memref<10240x32xf32, #tpu.memory_space<vmem_shared>>)
        %add3A_232 = arith.constant 5 : i32
        %add3A_233 = arith.addi %add3A_162, %add3A_232 : i32
        %sub3A_234 = arith.constant 1 : i32
        %sub3A_235 = arith.subi %add3A_233, %sub3A_234 : i32
        %mul3A_236 = arith.constant 128 : i32
        %mul3A_237 = arith.muli %sub3A_235, %mul3A_236 : i32
        %dma_start3A_238 = tpu.memref_slice %arg8[%mul3A_237] : memref<10240xi32, #tpu.memory_space<vmem>> -> memref<128xi32, #tpu.memory_space<vmem>>
        %dma_start3A_239 = arith.constant 0 : i32
        %dma_start3A_240 = arith.constant 0 : i32
        %dma_start3A_241 = tpu.memref_slice %arg2[%dma_start3A_239, %dma_start3A_240] : memref<10000x32xf32, #tpu.memory_space<hbm>> -> memref<10000x32xf32, #tpu.memory_space<hbm>>
        tpu.enqueue_indirect_dma source(%dma_start3A_241 : memref<10000x32xf32, #tpu.memory_space<hbm>>) target(%arg11 : memref<128x32xf32, #tpu.memory_space<vmem>>) offsets(%dma_start3A_238 : memref<128xi32, #tpu.memory_space<vmem>>) semaphore(%arg17 : memref<!tpu.dma_semaphore, #tpu.memory_space<semaphore_mem>>)
      } else {
      }
      %add3A_183 = arith.constant 3 : i32
      %add3A_184 = arith.addi %mul3A_120, %add3A_183 : i32
      %dma_wait3A_185 = arith.constant 0 : i32
      %dma_wait3A_186 = tpu.memref_slice %arg8[%dma_wait3A_185] : memref<10240xi32, #tpu.memory_space<vmem>> -> memref<128xi32, #tpu.memory_space<vmem>>
      %dma_wait3A_187 = arith.constant 0 : i32
      %dma_wait3A_188 = arith.constant 0 : i32
      %dma_wait3A_189 = tpu.memref_slice %arg2[%dma_wait3A_187, %dma_wait3A_188] : memref<10000x32xf32, #tpu.memory_space<hbm>> -> memref<10000x32xf32, #tpu.memory_space<hbm>>
      tpu.wait_indirect_dma semaphore(%arg19 : memref<!tpu.dma_semaphore, #tpu.memory_space<semaphore_mem>>) src(%dma_wait3A_189 : memref<10000x32xf32, #tpu.memory_space<hbm>>) dst(%arg13 : memref<128x32xf32, #tpu.memory_space<vmem>>)
      %mul3A_190 = arith.constant 128 : i32
      %mul3A_191 = arith.muli %add3A_184, %mul3A_190 : i32
      %dma_start3A_192 = tpu.memref_slice %arg9[%mul3A_191] : memref<10240xi32, #tpu.memory_space<vmem>> -> memref<128xi32, #tpu.memory_space<vmem>>
      %dma_start3A_193 = arith.constant 0 : i32
      %dma_start3A_194 = arith.constant 0 : i32
      %dma_start3A_195 = tpu.memref_slice %arg15[%dma_start3A_193, %dma_start3A_194] : memref<10240x32xf32, #tpu.memory_space<vmem_shared>> -> memref<10240x32xf32, #tpu.memory_space<vmem_shared>>
      tpu.enqueue_indirect_dma source(%arg13 : memref<128x32xf32, #tpu.memory_space<vmem>>) target(%dma_start3A_195 : memref<10240x32xf32, #tpu.memory_space<vmem_shared>>) offsets(%dma_start3A_192 : memref<128xi32, #tpu.memory_space<vmem>>) semaphore(%arg24 : memref<!tpu.dma_semaphore, #tpu.memory_space<semaphore_mem>>) {add = true}
      %add3A_196 = arith.constant 5 : i32
      %add3A_197 = arith.addi %add3A_184, %add3A_196 : i32
      %sub3A_198 = arith.constant 1 : i32
      %sub3A_199 = arith.subi %add3A_197, %sub3A_198 : i32
      %lt3A_200 = arith.constant 80 : i32
      %lt3A_201 = arith.cmpi slt, %sub3A_199, %lt3A_200 : i32
      %convert_element_type3A_202 = arith.extui %lt3A_201 : i1 to i32
      %cond3A_203 = arith.constant 0 : i32
      %cond3A_204 = arith.cmpi ne, %convert_element_type3A_202, %cond3A_203 : i32
      scf.if %cond3A_204 {
        %dma_wait3A_227 = arith.constant 0 : i32
        %dma_wait3A_228 = tpu.memref_slice %arg9[%dma_wait3A_227] : memref<10240xi32, #tpu.memory_space<vmem>> -> memref<128xi32, #tpu.memory_space<vmem>>
        %dma_wait3A_229 = arith.constant 0 : i32
        %dma_wait3A_230 = arith.constant 0 : i32
        %dma_wait3A_231 = tpu.memref_slice %arg15[%dma_wait3A_229, %dma_wait3A_230] : memref<10240x32xf32, #tpu.memory_space<vmem_shared>> -> memref<10240x32xf32, #tpu.memory_space<vmem_shared>>
        tpu.wait_indirect_dma semaphore(%arg23 : memref<!tpu.dma_semaphore, #tpu.memory_space<semaphore_mem>>) src(%arg12 : memref<128x32xf32, #tpu.memory_space<vmem>>) dst(%dma_wait3A_231 : memref<10240x32xf32, #tpu.memory_space<vmem_shared>>)
        %add3A_232 = arith.constant 5 : i32
        %add3A_233 = arith.addi %add3A_184, %add3A_232 : i32
        %sub3A_234 = arith.constant 1 : i32
        %sub3A_235 = arith.subi %add3A_233, %sub3A_234 : i32
        %mul3A_236 = arith.constant 128 : i32
        %mul3A_237 = arith.muli %sub3A_235, %mul3A_236 : i32
        %dma_start3A_238 = tpu.memref_slice %arg8[%mul3A_237] : memref<10240xi32, #tpu.memory_space<vmem>> -> memref<128xi32, #tpu.memory_space<vmem>>
        %dma_start3A_239 = arith.constant 0 : i32
        %dma_start3A_240 = arith.constant 0 : i32
        %dma_start3A_241 = tpu.memref_slice %arg2[%dma_start3A_239, %dma_start3A_240] : memref<10000x32xf32, #tpu.memory_space<hbm>> -> memref<10000x32xf32, #tpu.memory_space<hbm>>
        tpu.enqueue_indirect_dma source(%dma_start3A_241 : memref<10000x32xf32, #tpu.memory_space<hbm>>) target(%arg12 : memref<128x32xf32, #tpu.memory_space<vmem>>) offsets(%dma_start3A_238 : memref<128xi32, #tpu.memory_space<vmem>>) semaphore(%arg18 : memref<!tpu.dma_semaphore, #tpu.memory_space<semaphore_mem>>)
      } else {
      }
      %add3A_205 = arith.constant 4 : i32
      %add3A_206 = arith.addi %mul3A_120, %add3A_205 : i32
      %dma_wait3A_207 = arith.constant 0 : i32
      %dma_wait3A_208 = tpu.memref_slice %arg8[%dma_wait3A_207] : memref<10240xi32, #tpu.memory_space<vmem>> -> memref<128xi32, #tpu.memory_space<vmem>>
      %dma_wait3A_209 = arith.constant 0 : i32
      %dma_wait3A_210 = arith.constant 0 : i32
      %dma_wait3A_211 = tpu.memref_slice %arg2[%dma_wait3A_209, %dma_wait3A_210] : memref<10000x32xf32, #tpu.memory_space<hbm>> -> memref<10000x32xf32, #tpu.memory_space<hbm>>
      tpu.wait_indirect_dma semaphore(%arg20 : memref<!tpu.dma_semaphore, #tpu.memory_space<semaphore_mem>>) src(%dma_wait3A_211 : memref<10000x32xf32, #tpu.memory_space<hbm>>) dst(%arg14 : memref<128x32xf32, #tpu.memory_space<vmem>>)
      %mul3A_212 = arith.constant 128 : i32
      %mul3A_213 = arith.muli %add3A_206, %mul3A_212 : i32
      %dma_start3A_214 = tpu.memref_slice %arg9[%mul3A_213] : memref<10240xi32, #tpu.memory_space<vmem>> -> memref<128xi32, #tpu.memory_space<vmem>>
      %dma_start3A_215 = arith.constant 0 : i32
      %dma_start3A_216 = arith.constant 0 : i32
      %dma_start3A_217 = tpu.memref_slice %arg15[%dma_start3A_215, %dma_start3A_216] : memref<10240x32xf32, #tpu.memory_space<vmem_shared>> -> memref<10240x32xf32, #tpu.memory_space<vmem_shared>>
      tpu.enqueue_indirect_dma source(%arg14 : memref<128x32xf32, #tpu.memory_space<vmem>>) target(%dma_start3A_217 : memref<10240x32xf32, #tpu.memory_space<vmem_shared>>) offsets(%dma_start3A_214 : memref<128xi32, #tpu.memory_space<vmem>>) semaphore(%arg25 : memref<!tpu.dma_semaphore, #tpu.memory_space<semaphore_mem>>) {add = true}
      %add3A_218 = arith.constant 5 : i32
      %add3A_219 = arith.addi %add3A_206, %add3A_218 : i32
      %sub3A_220 = arith.constant 1 : i32
      %sub3A_221 = arith.subi %add3A_219, %sub3A_220 : i32
      %lt3A_222 = arith.constant 80 : i32
      %lt3A_223 = arith.cmpi slt, %sub3A_221, %lt3A_222 : i32
      %convert_element_type3A_224 = arith.extui %lt3A_223 : i1 to i32
      %cond3A_225 = arith.constant 0 : i32
      %cond3A_226 = arith.cmpi ne, %convert_element_type3A_224, %cond3A_225 : i32
      scf.if %cond3A_226 {
        %dma_wait3A_227 = arith.constant 0 : i32
        %dma_wait3A_228 = tpu.memref_slice %arg9[%dma_wait3A_227] : memref<10240xi32, #tpu.memory_space<vmem>> -> memref<128xi32, #tpu.memory_space<vmem>>
        %dma_wait3A_229 = arith.constant 0 : i32
        %dma_wait3A_230 = arith.constant 0 : i32
        %dma_wait3A_231 = tpu.memref_slice %arg15[%dma_wait3A_229, %dma_wait3A_230] : memref<10240x32xf32, #tpu.memory_space<vmem_shared>> -> memref<10240x32xf32, #tpu.memory_space<vmem_shared>>
        tpu.wait_indirect_dma semaphore(%arg24 : memref<!tpu.dma_semaphore, #tpu.memory_space<semaphore_mem>>) src(%arg13 : memref<128x32xf32, #tpu.memory_space<vmem>>) dst(%dma_wait3A_231 : memref<10240x32xf32, #tpu.memory_space<vmem_shared>>)
        %add3A_232 = arith.constant 5 : i32
        %add3A_233 = arith.addi %add3A_206, %add3A_232 : i32
        %sub3A_234 = arith.constant 1 : i32
        %sub3A_235 = arith.subi %add3A_233, %sub3A_234 : i32
        %mul3A_236 = arith.constant 128 : i32
        %mul3A_237 = arith.muli %sub3A_235, %mul3A_236 : i32
        %dma_start3A_238 = tpu.memref_slice %arg8[%mul3A_237] : memref<10240xi32, #tpu.memory_space<vmem>> -> memref<128xi32, #tpu.memory_space<vmem>>
        %dma_start3A_239 = arith.constant 0 : i32
        %dma_start3A_240 = arith.constant 0 : i32
        %dma_start3A_241 = tpu.memref_slice %arg2[%dma_start3A_239, %dma_start3A_240] : memref<10000x32xf32, #tpu.memory_space<hbm>> -> memref<10000x32xf32, #tpu.memory_space<hbm>>
        tpu.enqueue_indirect_dma source(%dma_start3A_241 : memref<10000x32xf32, #tpu.memory_space<hbm>>) target(%arg13 : memref<128x32xf32, #tpu.memory_space<vmem>>) offsets(%dma_start3A_238 : memref<128xi32, #tpu.memory_space<vmem>>) semaphore(%arg19 : memref<!tpu.dma_semaphore, #tpu.memory_space<semaphore_mem>>)
      } else {
      }
    }
    %scan3A_87 = arith.constant 16 : i32
    %dma_wait3A_88 = arith.constant 0 : i32
    %dma_wait3A_89 = tpu.memref_slice %arg9[%dma_wait3A_88] : memref<10240xi32, #tpu.memory_space<vmem>> -> memref<128xi32, #tpu.memory_space<vmem>>
    %dma_wait3A_90 = arith.constant 0 : i32
    %dma_wait3A_91 = arith.constant 0 : i32
    %dma_wait3A_92 = tpu.memref_slice %arg15[%dma_wait3A_90, %dma_wait3A_91] : memref<10240x32xf32, #tpu.memory_space<vmem_shared>> -> memref<10240x32xf32, #tpu.memory_space<vmem_shared>>
    tpu.wait_indirect_dma semaphore(%arg21 : memref<!tpu.dma_semaphore, #tpu.memory_space<semaphore_mem>>) src(%arg10 : memref<128x32xf32, #tpu.memory_space<vmem>>) dst(%dma_wait3A_92 : memref<10240x32xf32, #tpu.memory_space<vmem_shared>>)
    %dma_wait3A_93 = arith.constant 0 : i32
    %dma_wait3A_94 = tpu.memref_slice %arg9[%dma_wait3A_93] : memref<10240xi32, #tpu.memory_space<vmem>> -> memref<128xi32, #tpu.memory_space<vmem>>
    %dma_wait3A_95 = arith.constant 0 : i32
    %dma_wait3A_96 = arith.constant 0 : i32
    %dma_wait3A_97 = tpu.memref_slice %arg15[%dma_wait3A_95, %dma_wait3A_96] : memref<10240x32xf32, #tpu.memory_space<vmem_shared>> -> memref<10240x32xf32, #tpu.memory_space<vmem_shared>>
    tpu.wait_indirect_dma semaphore(%arg22 : memref<!tpu.dma_semaphore, #tpu.memory_space<semaphore_mem>>) src(%arg11 : memref<128x32xf32, #tpu.memory_space<vmem>>) dst(%dma_wait3A_97 : memref<10240x32xf32, #tpu.memory_space<vmem_shared>>)
    %dma_wait3A_98 = arith.constant 0 : i32
    %dma_wait3A_99 = tpu.memref_slice %arg9[%dma_wait3A_98] : memref<10240xi32, #tpu.memory_space<vmem>> -> memref<128xi32, #tpu.memory_space<vmem>>
    %dma_wait3A_100 = arith.constant 0 : i32
    %dma_wait3A_101 = arith.constant 0 : i32
    %dma_wait3A_102 = tpu.memref_slice %arg15[%dma_wait3A_100, %dma_wait3A_101] : memref<10240x32xf32, #tpu.memory_space<vmem_shared>> -> memref<10240x32xf32, #tpu.memory_space<vmem_shared>>
    tpu.wait_indirect_dma semaphore(%arg23 : memref<!tpu.dma_semaphore, #tpu.memory_space<semaphore_mem>>) src(%arg12 : memref<128x32xf32, #tpu.memory_space<vmem>>) dst(%dma_wait3A_102 : memref<10240x32xf32, #tpu.memory_space<vmem_shared>>)
    %dma_wait3A_103 = arith.constant 0 : i32
    %dma_wait3A_104 = tpu.memref_slice %arg9[%dma_wait3A_103] : memref<10240xi32, #tpu.memory_space<vmem>> -> memref<128xi32, #tpu.memory_space<vmem>>
    %dma_wait3A_105 = arith.constant 0 : i32
    %dma_wait3A_106 = arith.constant 0 : i32
    %dma_wait3A_107 = tpu.memref_slice %arg15[%dma_wait3A_105, %dma_wait3A_106] : memref<10240x32xf32, #tpu.memory_space<vmem_shared>> -> memref<10240x32xf32, #tpu.memory_space<vmem_shared>>
    tpu.wait_indirect_dma semaphore(%arg24 : memref<!tpu.dma_semaphore, #tpu.memory_space<semaphore_mem>>) src(%arg13 : memref<128x32xf32, #tpu.memory_space<vmem>>) dst(%dma_wait3A_107 : memref<10240x32xf32, #tpu.memory_space<vmem_shared>>)
    %dma_wait3A_108 = arith.constant 0 : i32
    %dma_wait3A_109 = tpu.memref_slice %arg9[%dma_wait3A_108] : memref<10240xi32, #tpu.memory_space<vmem>> -> memref<128xi32, #tpu.memory_space<vmem>>
    %dma_wait3A_110 = arith.constant 0 : i32
    %dma_wait3A_111 = arith.constant 0 : i32
    %dma_wait3A_112 = tpu.memref_slice %arg15[%dma_wait3A_110, %dma_wait3A_111] : memref<10240x32xf32, #tpu.memory_space<vmem_shared>> -> memref<10240x32xf32, #tpu.memory_space<vmem_shared>>
    tpu.wait_indirect_dma semaphore(%arg25 : memref<!tpu.dma_semaphore, #tpu.memory_space<semaphore_mem>>) src(%arg14 : memref<128x32xf32, #tpu.memory_space<vmem>>) dst(%dma_wait3A_112 : memref<10240x32xf32, #tpu.memory_space<vmem_shared>>)
    %barrier3A_113 = arith.constant 0 : index
    tpu.barrier barrier_id(%barrier3A_113)
    %mul3A_114 = arith.constant 640 : i32
    %mul3A_115 = arith.muli %arg1, %mul3A_114 : i32
    %mul3A_116 = arith.constant 640 : i32
    %mul3A_117 = arith.muli %arg1, %mul3A_116 : i32
    "tpu.region"() ({
      %run_scoped3A = tpu.sem_alloc : memref<!tpu.dma_semaphore, #tpu.memory_space<semaphore_mem>>
      %dma_start3A_118 = arith.constant 0 : i32
      %dma_start3A_119 = tpu.memref_slice %arg7[%arg0, %mul3A_117, %dma_start3A_118] : memref<2x10240x128xf32, #tpu.memory_space<hbm>> -> memref<1x640x32xf32, #tpu.memory_space<hbm>>
      %dma_start3A_120 = tpu.memref_squeeze %dma_start3A_119 : memref<1x640x32xf32, #tpu.memory_space<hbm>> -> memref<640x32xf32, #tpu.memory_space<hbm>>
      %dma_start3A_121 = arith.constant 0 : i32
      %dma_start3A_122 = tpu.memref_slice %arg15[%mul3A_115, %dma_start3A_121] : memref<10240x32xf32, #tpu.memory_space<vmem_shared>> -> memref<640x32xf32, #tpu.memory_space<vmem_shared>>
      tpu.enqueue_dma source(%dma_start3A_122 : memref<640x32xf32, #tpu.memory_space<vmem_shared>>) target(%dma_start3A_120 : memref<640x32xf32, #tpu.memory_space<hbm>>) target_semaphore(%run_scoped3A : memref<!tpu.dma_semaphore, #tpu.memory_space<semaphore_mem>>)
      %dma_wait3A_123 = arith.constant 0 : i32
      %dma_wait3A_124 = tpu.memref_slice %arg7[%arg0, %mul3A_117, %dma_wait3A_123] : memref<2x10240x128xf32, #tpu.memory_space<hbm>> -> memref<1x640x32xf32, #tpu.memory_space<hbm>>
      %dma_wait3A_125 = tpu.memref_squeeze %dma_wait3A_124 : memref<1x640x32xf32, #tpu.memory_space<hbm>> -> memref<640x32xf32, #tpu.memory_space<hbm>>
      %dma_wait3A_126 = arith.constant 0 : i32
      %dma_wait3A_127 = tpu.memref_slice %arg15[%mul3A_115, %dma_wait3A_126] : memref<10240x32xf32, #tpu.memory_space<vmem_shared>> -> memref<640x32xf32, #tpu.memory_space<vmem_shared>>
      tpu.wait_dma2 semaphore(%run_scoped3A : memref<!tpu.dma_semaphore, #tpu.memory_space<semaphore_mem>>) src(%dma_wait3A_127 : memref<640x32xf32, #tpu.memory_space<vmem_shared>>) dst(%dma_wait3A_125 : memref<640x32xf32, #tpu.memory_space<hbm>>)
      tpu.yield
    }) : () -> ()
    return
  }
}

module attributes {stable_mosaic.version = 14 : i64} {
  func.func @body(%arg0: i32, %arg1: memref<10000x128xf32, #tpu.memory_space<vmem>>, %arg2: memref<128x64xf32, #tpu.memory_space<vmem>>, %arg3: memref<128x64xf32, #tpu.memory_space<vmem>>, %arg4: memref<10000x80xf32, #tpu.memory_space<vmem>>, %arg5: memref<10000x64xf32, #tpu.memory_space<vmem>>) attributes {dimension_semantics = [#tpu.dimension_semantics<arbitrary>], iteration_bounds = array<i64: 1>, scalar_prefetch = 0 : i64, scratch_operands = 0 : i64, tpu.core_type = #tpu.core_type<tc>, window_params = [{transform_indices = @transform_0, window_bounds = array<i64: 10000, 128>}, {pipeline_mode = #tpu.pipeline_mode<synchronous>, transform_indices = @transform_1, window_bounds = array<i64: 128, 64>}, {pipeline_mode = #tpu.pipeline_mode<synchronous>, transform_indices = @transform_2, window_bounds = array<i64: 128, 64>}, {transform_indices = @transform_3, window_bounds = array<i64: 10000, 80>}, {transform_indices = @transform_4, window_bounds = array<i64: 10000, 64>}]} {
    %get3A = arith.constant 0 : index
    %get3A_0 = arith.constant 0 : index
    %get3A_1 = vector.load %arg1[%get3A, %get3A_0] : memref<10000x128xf32, #tpu.memory_space<vmem>>, vector<10000x128xf32>
    %get3A_2 = arith.constant 0 : index
    %get3A_3 = arith.constant 0 : index
    %get3A_4 = vector.load %arg2[%get3A_2, %get3A_3] : memref<128x64xf32, #tpu.memory_space<vmem>>, vector<128x64xf32>
    %dot_general3A = arith.constant dense<0.000000e+00> : vector<10000x64xf32>
    %dot_general3A_5 = tpu.matmul %get3A_1, %get3A_4, %dot_general3A {dimension_numbers = #tpu.dot_dimension_numbers<[1], [0], [0], [1], [0, 0, 1, 1], [], []>, transpose_lhs_hint = false} : vector<10000x128xf32>, vector<128x64xf32>, vector<10000x64xf32> -> vector<10000x64xf32>
    %broadcast_in_dim3A = arith.constant 1.000000e+00 : f32
    %broadcast_in_dim3A_6 = vector.broadcast %broadcast_in_dim3A : f32 to vector<10000x1xf32>
    %broadcast_in_dim3A_7 = arith.constant 0.000000e+00 : f32
    %broadcast_in_dim3A_8 = vector.broadcast %broadcast_in_dim3A_7 : f32 to vector<10000x15xf32>
    %concatenate3A = tpu.concatenate %dot_general3A_5, %broadcast_in_dim3A_6, %broadcast_in_dim3A_8 in 1 : vector<10000x64xf32>, vector<10000x1xf32>, vector<10000x15xf32> -> vector<10000x80xf32>
    %swap3A = arith.constant 0 : index
    %swap3A_9 = arith.constant 0 : index
    %swap3A_10 = vector.load %arg4[%swap3A, %swap3A_9] : memref<10000x80xf32, #tpu.memory_space<vmem>>, vector<10000x80xf32>
    tpu.vector_store %arg4[%swap3A, %swap3A_9], %concatenate3A {strides = array<i32>} : memref<10000x80xf32, #tpu.memory_space<vmem>>, vector<10000x80xf32>,
    %get3A_11 = arith.constant 0 : index
    %get3A_12 = arith.constant 0 : index
    %get3A_13 = vector.load %arg3[%get3A_11, %get3A_12] : memref<128x64xf32, #tpu.memory_space<vmem>>, vector<128x64xf32>
    %dot_general3A_14 = arith.constant dense<0.000000e+00> : vector<10000x64xf32>
    %dot_general3A_15 = tpu.matmul %get3A_1, %get3A_13, %dot_general3A_14 {dimension_numbers = #tpu.dot_dimension_numbers<[1], [0], [0], [1], [0, 0, 1, 1], [], []>, transpose_lhs_hint = false} : vector<10000x128xf32>, vector<128x64xf32>, vector<10000x64xf32> -> vector<10000x64xf32>
    %swap3A_16 = arith.constant 0 : index
    %swap3A_17 = arith.constant 0 : index
    %swap3A_18 = vector.load %arg5[%swap3A_16, %swap3A_17] : memref<10000x64xf32, #tpu.memory_space<vmem>>, vector<10000x64xf32>
    tpu.vector_store %arg5[%swap3A_16, %swap3A_17], %dot_general3A_15 {strides = array<i32>} : memref<10000x64xf32, #tpu.memory_space<vmem>>, vector<10000x64xf32>,
    return
  }
  func.func @transform_0(%arg0: i32) -> (i32, i32) {
    %c0_i32 = arith.constant 0 : i32
    %c0_i32_0 = arith.constant 0 : i32
    return %arg0, %c0_i32 : i32, i32
  }
  func.func @transform_1(%arg0: i32) -> (i32, i32) {
    %c0_i32 = arith.constant 0 : i32
    %c0_i32_0 = arith.constant 0 : i32
    %c0_i32_1 = arith.constant 0 : i32
    return %c0_i32, %c0_i32_0 : i32, i32
  }
  func.func @transform_2(%arg0: i32) -> (i32, i32) {
    %c0_i32 = arith.constant 0 : i32
    %c0_i32_0 = arith.constant 0 : i32
    %c0_i32_1 = arith.constant 0 : i32
    return %c0_i32, %c0_i32_0 : i32, i32
  }
  func.func @transform_3(%arg0: i32) -> (i32, i32) {
    %c0_i32 = arith.constant 0 : i32
    %c0_i32_0 = arith.constant 0 : i32
    return %arg0, %c0_i32 : i32, i32
  }
  func.func @transform_4(%arg0: i32) -> (i32, i32) {
    %c0_i32 = arith.constant 0 : i32
    %c0_i32_0 = arith.constant 0 : i32
    return %arg0, %c0_i32 : i32, i32
  }
}

module attributes {stable_mosaic.version = 14 : i64} {
  func.func @body(%arg0: i32, %arg1: memref<2x10000x128xf32, #tpu.memory_space<vmem>>, %arg2: memref<10000x64xf32, #tpu.memory_space<vmem>>, %arg3: memref<64xf32, #tpu.memory_space<vmem>>, %arg4: memref<64x32xf32, #tpu.memory_space<vmem>>, %arg5: memref<64x32xf32, #tpu.memory_space<vmem>>, %arg6: memref<10000x32xf32, #tpu.memory_space<vmem>>, %arg7: memref<10000x32xf32, #tpu.memory_space<vmem>>, %arg8: memref<10000x8xf32, #tpu.memory_space<vmem>>) attributes {dimension_semantics = [#tpu.dimension_semantics<arbitrary>], iteration_bounds = array<i64: 1>, scalar_prefetch = 0 : i64, scratch_operands = 0 : i64, tpu.core_type = #tpu.core_type<tc>, window_params = [{transform_indices = @transform_0, window_bounds = array<i64: 2, 10000, 128>}, {transform_indices = @transform_1, window_bounds = array<i64: 10000, 64>}, {pipeline_mode = #tpu.pipeline_mode<synchronous>, transform_indices = @transform_2, window_bounds = array<i64: 64>}, {pipeline_mode = #tpu.pipeline_mode<synchronous>, transform_indices = @transform_3, window_bounds = array<i64: 64, 32>}, {pipeline_mode = #tpu.pipeline_mode<synchronous>, transform_indices = @transform_4, window_bounds = array<i64: 64, 32>}, {transform_indices = @transform_5, window_bounds = array<i64: 10000, 32>}, {transform_indices = @transform_6, window_bounds = array<i64: 10000, 32>}, {transform_indices = @transform_7, window_bounds = array<i64: 10000, 8>}]} {
    %get3A = arith.constant 0 : index
    %get3A_0 = arith.constant 0 : index
    %get3A_1 = arith.constant 0 : index
    %get3A_2 = vector.load %arg1[%get3A, %get3A_0, %get3A_1] : memref<2x10000x128xf32, #tpu.memory_space<vmem>>, vector<1x10000x80xf32>
    %get3A_3 = vector.shape_cast %get3A_2 : vector<1x10000x80xf32> to vector<10000x80xf32>
    %get3A_4 = arith.constant 1 : index
    %get3A_5 = arith.constant 0 : index
    %get3A_6 = arith.constant 0 : index
    %get3A_7 = vector.load %arg1[%get3A_4, %get3A_5, %get3A_6] : memref<2x10000x128xf32, #tpu.memory_space<vmem>>, vector<1x10000x80xf32>
    %get3A_8 = vector.shape_cast %get3A_7 : vector<1x10000x80xf32> to vector<10000x80xf32>
    %add3A = arith.addf %get3A_3, %get3A_8 : vector<10000x80xf32>
    %slice3A = vector.extract_strided_slice %add3A {offsets = [0, 64], sizes = [10000, 1], strides = [1, 1]} : vector<10000x80xf32> to vector<10000x1xf32>
    %max3A = arith.constant 1.000000e+00 : f32
    %max3A_9 = vector.broadcast %max3A : f32 to vector<10000x1xf32>
    %max3A_10 = arith.maximumf %slice3A, %max3A_9 : vector<10000x1xf32>
    %slice3A_11 = vector.extract_strided_slice %add3A {offsets = [0, 0], sizes = [10000, 64], strides = [1, 1]} : vector<10000x80xf32> to vector<10000x64xf32>
    %div3A = vector.broadcast %max3A_10 : vector<10000x1xf32> to vector<10000x64xf32>
    %div3A_12 = arith.divf %slice3A_11, %div3A : vector<10000x64xf32>
    %get3A_13 = arith.constant 0 : index
    %get3A_14 = vector.load %arg3[%get3A_13] : memref<64xf32, #tpu.memory_space<vmem>>, vector<64xf32>
    %broadcast_in_dim3A = vector.shape_cast %get3A_14 : vector<64xf32> to vector<1x64xf32>
    %add3A_15 = vector.broadcast %broadcast_in_dim3A : vector<1x64xf32> to vector<10000x64xf32>
    %add3A_16 = arith.addf %div3A_12, %add3A_15 : vector<10000x64xf32>
    %get3A_17 = arith.constant 0 : index
    %get3A_18 = arith.constant 0 : index
    %get3A_19 = vector.load %arg2[%get3A_17, %get3A_18] : memref<10000x64xf32, #tpu.memory_space<vmem>>, vector<10000x64xf32>
    %add3A_20 = arith.addf %add3A_16, %get3A_19 : vector<10000x64xf32>
    %max3A_21 = arith.constant 0.000000e+00 : f32
    %max3A_22 = vector.broadcast %max3A_21 : f32 to vector<10000x64xf32>
    %max3A_23 = arith.maximumf %add3A_20, %max3A_22 : vector<10000x64xf32>
    %get3A_24 = arith.constant 0 : index
    %get3A_25 = arith.constant 0 : index
    %get3A_26 = vector.load %arg4[%get3A_24, %get3A_25] : memref<64x32xf32, #tpu.memory_space<vmem>>, vector<64x32xf32>
    %dot_general3A = arith.constant dense<0.000000e+00> : vector<10000x32xf32>
    %dot_general3A_27 = tpu.matmul %max3A_23, %get3A_26, %dot_general3A {dimension_numbers = #tpu.dot_dimension_numbers<[1], [0], [0], [1], [0, 0, 1, 1], [], []>, transpose_lhs_hint = false} : vector<10000x64xf32>, vector<64x32xf32>, vector<10000x32xf32> -> vector<10000x32xf32>
    %swap3A = arith.constant 0 : index
    %swap3A_28 = arith.constant 0 : index
    %swap3A_29 = vector.load %arg6[%swap3A, %swap3A_28] : memref<10000x32xf32, #tpu.memory_space<vmem>>, vector<10000x32xf32>
    tpu.vector_store %arg6[%swap3A, %swap3A_28], %dot_general3A_27 {strides = array<i32>} : memref<10000x32xf32, #tpu.memory_space<vmem>>, vector<10000x32xf32>,
    %get3A_30 = arith.constant 0 : index
    %get3A_31 = arith.constant 0 : index
    %get3A_32 = vector.load %arg5[%get3A_30, %get3A_31] : memref<64x32xf32, #tpu.memory_space<vmem>>, vector<64x32xf32>
    %dot_general3A_33 = arith.constant dense<0.000000e+00> : vector<10000x32xf32>
    %dot_general3A_34 = tpu.matmul %max3A_23, %get3A_32, %dot_general3A_33 {dimension_numbers = #tpu.dot_dimension_numbers<[1], [0], [0], [1], [0, 0, 1, 1], [], []>, transpose_lhs_hint = false} : vector<10000x64xf32>, vector<64x32xf32>, vector<10000x32xf32> -> vector<10000x32xf32>
    %swap3A_35 = arith.constant 0 : index
    %swap3A_36 = arith.constant 0 : index
    %swap3A_37 = vector.load %arg7[%swap3A_35, %swap3A_36] : memref<10000x32xf32, #tpu.memory_space<vmem>>, vector<10000x32xf32>
    tpu.vector_store %arg7[%swap3A_35, %swap3A_36], %dot_general3A_34 {strides = array<i32>} : memref<10000x32xf32, #tpu.memory_space<vmem>>, vector<10000x32xf32>,
    %broadcast_in_dim3A_38 = vector.shape_cast %max3A_10 : vector<10000x1xf32> to vector<10000x1xf32>
    %broadcast_in_dim3A_39 = vector.broadcast %broadcast_in_dim3A_38 : vector<10000x1xf32> to vector<10000x8xf32>
    %swap3A_40 = arith.constant 0 : index
    %swap3A_41 = arith.constant 0 : index
    %swap3A_42 = vector.load %arg8[%swap3A_40, %swap3A_41] : memref<10000x8xf32, #tpu.memory_space<vmem>>, vector<10000x8xf32>
    tpu.vector_store %arg8[%swap3A_40, %swap3A_41], %broadcast_in_dim3A_39 {strides = array<i32>} : memref<10000x8xf32, #tpu.memory_space<vmem>>, vector<10000x8xf32>,
    return
  }
  func.func @transform_0(%arg0: i32) -> (i32, i32, i32) {
    %c0_i32 = arith.constant 0 : i32
    %c0_i32_0 = arith.constant 0 : i32
    %c0_i32_1 = arith.constant 0 : i32
    return %c0_i32, %arg0, %c0_i32_0 : i32, i32, i32
  }
  func.func @transform_1(%arg0: i32) -> (i32, i32) {
    %c0_i32 = arith.constant 0 : i32
    %c0_i32_0 = arith.constant 0 : i32
    return %arg0, %c0_i32 : i32, i32
  }
  func.func @transform_2(%arg0: i32) -> i32 {
    %c0_i32 = arith.constant 0 : i32
    %c0_i32_0 = arith.constant 0 : i32
    return %c0_i32 : i32
  }
  func.func @transform_3(%arg0: i32) -> (i32, i32) {
    %c0_i32 = arith.constant 0 : i32
    %c0_i32_0 = arith.constant 0 : i32
    %c0_i32_1 = arith.constant 0 : i32
    return %c0_i32, %c0_i32_0 : i32, i32
  }
  func.func @transform_4(%arg0: i32) -> (i32, i32) {
    %c0_i32 = arith.constant 0 : i32
    %c0_i32_0 = arith.constant 0 : i32
    %c0_i32_1 = arith.constant 0 : i32
    return %c0_i32, %c0_i32_0 : i32, i32
  }
  func.func @transform_5(%arg0: i32) -> (i32, i32) {
    %c0_i32 = arith.constant 0 : i32
    %c0_i32_0 = arith.constant 0 : i32
    return %arg0, %c0_i32 : i32, i32
  }
  func.func @transform_6(%arg0: i32) -> (i32, i32) {
    %c0_i32 = arith.constant 0 : i32
    %c0_i32_0 = arith.constant 0 : i32
    return %arg0, %c0_i32 : i32, i32
  }
  func.func @transform_7(%arg0: i32) -> (i32, i32) {
    %c0_i32 = arith.constant 0 : i32
    %c0_i32_0 = arith.constant 0 : i32
    return %arg0, %c0_i32 : i32, i32
  }
}

module attributes {stable_mosaic.version = 14 : i64} {
  func.func @body(%arg0: i32, %arg1: memref<2x10000x128xf32, #tpu.memory_space<vmem>>, %arg2: memref<10000x8xf32, #tpu.memory_space<vmem>>, %arg3: memref<10000x32xf32, #tpu.memory_space<vmem>>, %arg4: memref<32xf32, #tpu.memory_space<vmem>>, %arg5: memref<32x128xf32, #tpu.memory_space<vmem>>, %arg6: memref<128xf32, #tpu.memory_space<vmem>>, %arg7: memref<10000x32xf32, #tpu.memory_space<vmem>>, %arg8: memref<10000x128xf32, #tpu.memory_space<vmem>>) attributes {dimension_semantics = [#tpu.dimension_semantics<arbitrary>], iteration_bounds = array<i64: 1>, scalar_prefetch = 0 : i64, scratch_operands = 0 : i64, tpu.core_type = #tpu.core_type<tc>, window_params = [{transform_indices = @transform_0, window_bounds = array<i64: 2, 10000, 128>}, {transform_indices = @transform_1, window_bounds = array<i64: 10000, 8>}, {transform_indices = @transform_2, window_bounds = array<i64: 10000, 32>}, {pipeline_mode = #tpu.pipeline_mode<synchronous>, transform_indices = @transform_3, window_bounds = array<i64: 32>}, {pipeline_mode = #tpu.pipeline_mode<synchronous>, transform_indices = @transform_4, window_bounds = array<i64: 32, 128>}, {pipeline_mode = #tpu.pipeline_mode<synchronous>, transform_indices = @transform_5, window_bounds = array<i64: 128>}, {transform_indices = @transform_6, window_bounds = array<i64: 10000, 32>}, {transform_indices = @transform_7, window_bounds = array<i64: 10000, 128>}]} {
    %get3A = arith.constant 0 : index
    %get3A_0 = arith.constant 0 : index
    %get3A_1 = arith.constant 0 : index
    %get3A_2 = vector.load %arg1[%get3A, %get3A_0, %get3A_1] : memref<2x10000x128xf32, #tpu.memory_space<vmem>>, vector<1x10000x32xf32>
    %get3A_3 = vector.shape_cast %get3A_2 : vector<1x10000x32xf32> to vector<10000x32xf32>
    %get3A_4 = arith.constant 1 : index
    %get3A_5 = arith.constant 0 : index
    %get3A_6 = arith.constant 0 : index
    %get3A_7 = vector.load %arg1[%get3A_4, %get3A_5, %get3A_6] : memref<2x10000x128xf32, #tpu.memory_space<vmem>>, vector<1x10000x32xf32>
    %get3A_8 = vector.shape_cast %get3A_7 : vector<1x10000x32xf32> to vector<10000x32xf32>
    %add3A = arith.addf %get3A_3, %get3A_8 : vector<10000x32xf32>
    %get3A_9 = arith.constant 0 : index
    %get3A_10 = arith.constant 0 : index
    %get3A_11 = vector.load %arg2[%get3A_9, %get3A_10] : memref<10000x8xf32, #tpu.memory_space<vmem>>, vector<10000x1xf32>
    %div3A = vector.broadcast %get3A_11 : vector<10000x1xf32> to vector<10000x32xf32>
    %div3A_12 = arith.divf %add3A, %div3A : vector<10000x32xf32>
    %get3A_13 = arith.constant 0 : index
    %get3A_14 = vector.load %arg4[%get3A_13] : memref<32xf32, #tpu.memory_space<vmem>>, vector<32xf32>
    %broadcast_in_dim3A = vector.shape_cast %get3A_14 : vector<32xf32> to vector<1x32xf32>
    %add3A_15 = vector.broadcast %broadcast_in_dim3A : vector<1x32xf32> to vector<10000x32xf32>
    %add3A_16 = arith.addf %div3A_12, %add3A_15 : vector<10000x32xf32>
    %get3A_17 = arith.constant 0 : index
    %get3A_18 = arith.constant 0 : index
    %get3A_19 = vector.load %arg3[%get3A_17, %get3A_18] : memref<10000x32xf32, #tpu.memory_space<vmem>>, vector<10000x32xf32>
    %add3A_20 = arith.addf %add3A_16, %get3A_19 : vector<10000x32xf32>
    %max3A = arith.constant 0.000000e+00 : f32
    %max3A_21 = vector.broadcast %max3A : f32 to vector<10000x32xf32>
    %max3A_22 = arith.maximumf %add3A_20, %max3A_21 : vector<10000x32xf32>
    %swap3A = arith.constant 0 : index
    %swap3A_23 = arith.constant 0 : index
    %swap3A_24 = vector.load %arg7[%swap3A, %swap3A_23] : memref<10000x32xf32, #tpu.memory_space<vmem>>, vector<10000x32xf32>
    tpu.vector_store %arg7[%swap3A, %swap3A_23], %max3A_22 {strides = array<i32>} : memref<10000x32xf32, #tpu.memory_space<vmem>>, vector<10000x32xf32>,
    %get3A_25 = arith.constant 0 : index
    %get3A_26 = arith.constant 0 : index
    %get3A_27 = vector.load %arg5[%get3A_25, %get3A_26] : memref<32x128xf32, #tpu.memory_space<vmem>>, vector<32x128xf32>
    %dot_general3A = arith.constant dense<0.000000e+00> : vector<10000x128xf32>
    %dot_general3A_28 = tpu.matmul %max3A_22, %get3A_27, %dot_general3A {dimension_numbers = #tpu.dot_dimension_numbers<[1], [0], [0], [1], [0, 0, 1, 1], [], []>, transpose_lhs_hint = false} : vector<10000x32xf32>, vector<32x128xf32>, vector<10000x128xf32> -> vector<10000x128xf32>
    %get3A_29 = arith.constant 0 : index
    %get3A_30 = vector.load %arg6[%get3A_29] : memref<128xf32, #tpu.memory_space<vmem>>, vector<128xf32>
    %broadcast_in_dim3A_31 = vector.shape_cast %get3A_30 : vector<128xf32> to vector<1x128xf32>
    %add3A_32 = vector.broadcast %broadcast_in_dim3A_31 : vector<1x128xf32> to vector<10000x128xf32>
    %add3A_33 = arith.addf %dot_general3A_28, %add3A_32 : vector<10000x128xf32>
    %swap3A_34 = arith.constant 0 : index
    %swap3A_35 = arith.constant 0 : index
    %swap3A_36 = vector.load %arg8[%swap3A_34, %swap3A_35] : memref<10000x128xf32, #tpu.memory_space<vmem>>, vector<10000x128xf32>
    tpu.vector_store %arg8[%swap3A_34, %swap3A_35], %add3A_33 {strides = array<i32>} : memref<10000x128xf32, #tpu.memory_space<vmem>>, vector<10000x128xf32>,
    return
  }
  func.func @transform_0(%arg0: i32) -> (i32, i32, i32) {
    %c0_i32 = arith.constant 0 : i32
    %c0_i32_0 = arith.constant 0 : i32
    %c0_i32_1 = arith.constant 0 : i32
    return %c0_i32, %arg0, %c0_i32_0 : i32, i32, i32
  }
  func.func @transform_1(%arg0: i32) -> (i32, i32) {
    %c0_i32 = arith.constant 0 : i32
    %c0_i32_0 = arith.constant 0 : i32
    return %arg0, %c0_i32 : i32, i32
  }
  func.func @transform_2(%arg0: i32) -> (i32, i32) {
    %c0_i32 = arith.constant 0 : i32
    %c0_i32_0 = arith.constant 0 : i32
    return %arg0, %c0_i32 : i32, i32
  }
  func.func @transform_3(%arg0: i32) -> i32 {
    %c0_i32 = arith.constant 0 : i32
    %c0_i32_0 = arith.constant 0 : i32
    return %c0_i32 : i32
  }
  func.func @transform_4(%arg0: i32) -> (i32, i32) {
    %c0_i32 = arith.constant 0 : i32
    %c0_i32_0 = arith.constant 0 : i32
    %c0_i32_1 = arith.constant 0 : i32
    return %c0_i32, %c0_i32_0 : i32, i32
  }
  func.func @transform_5(%arg0: i32) -> i32 {
    %c0_i32 = arith.constant 0 : i32
    %c0_i32_0 = arith.constant 0 : i32
    return %c0_i32 : i32
  }
  func.func @transform_6(%arg0: i32) -> (i32, i32) {
    %c0_i32 = arith.constant 0 : i32
    %c0_i32_0 = arith.constant 0 : i32
    return %arg0, %c0_i32 : i32, i32
  }
  func.func @transform_7(%arg0: i32) -> (i32, i32) {
    %c0_i32 = arith.constant 0 : i32
    %c0_i32_0 = arith.constant 0 : i32
    return %arg0, %c0_i32 : i32, i32
  }
}

</mosaic_0001>

<sc_bundles>
// kernel: kernel.10.cloned.1.call-start
scs
__scs_entry_jumppad:
0x0: {  	(pc) =	sbr.rel $0x88, $3  }
0x1: {  	(tag) =	ssettag $0x0;
	lr =	simm.s32 $0x1  }
0x2: {  	[smem:$0x3F97] =	sst lr;
	_ =	strace $0xD0000000  }
0x3: {  	_ = 	snop  }
0x4: {  	_ = 	snop  }
0x5: {  	_ = 	snop  }
0x6: {  	_ = 	snop  }
0x7: {  	_ = 	snop  }
__scs_overlays_trampoline_lowered:
0x8: {  	[smem:$0x3FA6] =	sst s0  }
0x9: {  	[smem:$0x3FA7] =	sst s1  }
0xa: {  	[smem:$0x3FA8] =	sst s2  }
0xb: {  	[smem:$0x3FA9] =	sst s3  }
0xc: {  	[smem:$0x3FAA] =	sst s4  }
0xd: {  	[smem:$0x3FAB] =	sst s5  }
0xe: {  	[smem:$0x3FAC] =	sst s6  }
0xf: {  	[smem:$0x3FAD] =	sst s7  }
0x10: {  	[smem:$0x3FAE] =	sst s8  }
0x11: {  	[smem:$0x3FAF] =	sst s9;
	s0 =	simm.s32 @!p0 $0x0  }
0x12: {  	s1 =	sld [smem:$0x3F95];
	s0 =	simm.s32 @p0 $0x1  }
0x13: {  	[smem:$0x3FB0] =	sst s0;
	s0 =	simm.s32 @!p1 $0x0  }
0x14: {  	s2 =	sld [smem:$0x3F94];
	s0 =	simm.s32 @p1 $0x1  }
0x15: {  	[smem:$0x3FB1] =	sst s0;
	s0 =	simm.s32 @!p2 $0x0  }
0x16: {  	s3 =	sld [smem:$0x3FDB];
	s0 =	simm.s32 @p2 $0x1  }
0x17: {  	s4 =	simm.s32 $0x1BF5;
	[smem:$0x3FB3] =	sst s0  }
0x18: {  	s0 =	sld [smem:$0x3F96];
	_ =	swait.ge [sflag:s4], $0x0  }
0x19: {  	s7 =	sld [smem:$0x3F97]  }
0x1a: {  	s8 =	sadd.s32 $0xFFFFE003, lr  }
0x1b: {  	s9 =	sadd.s32 $0xFFFFFEF7, lr;
	s5 =	simm.s32 $0xFFFFFFFF;
	p2 =	slt.u32 s8, $0xFFFFF086  }
0x1c: {  	p1 =	slt.u32 s9, $0xF7A;
	s5 =	simm.s32 @!p2 $0x0  }
0x1d: {  	s5 =	simm.s32 @p1 $0x1;
	p0 =	seq.s32 s7, s2  }
0x1e: {  	s7 =	smul.u32 @!p0 $0xF7A, s2;
	p2 =	seq.s32 @!p0 s5, $0x0  }
0x1f: {  	s9 =	smul.u32 $0xF7A, s1;
	s8 =	simm.s32 @!p0 $0x1BF5;
	p2 =	por !p2, p0  }
0x20: {  	[sflag:s8] =	ssyncset.s32 @!p0 $0xFFFFF086;
	s6 =	sadd.s32 @!p0 s3, s7;
	s7 =	simm.s32 @!p0 $0x108  }
0x21: {  	s3 =	sadd.s32 s3, s9;
	s6 =	sadd.s32 @!p0 $0x88, s6;
	s7 =	simm.s32 @p2 $0x1082  }
0x22: {  	[simem:s7], [sflag:s8] =	dma.local @!p0 [hbm:s6], $0xF7A  }
0x23: {  	s9 =	sor.u32 $0xD0000000, s2;
	s6 =	simm.s32 $0x108;
	_ =	swait.ge @!p0 [sflag:s8], $0x0  }
0x24: {  	s3 =	sadd.s32 $0x88, s3;
	s6 =	simm.s32 @!p1 $0x1082;
	[sflag:s4] =	ssyncset.s32 $0xFFFFF086  }
0x25: {  	[simem:s6], [sflag:s4] =	dma.local [hbm:s3], $0xF7A  }
0x26: {  	[smem:$0x3F97] =	sst s1;
	(tag) =	ssettag s2;
	_ =	strace s9  }
0x27: {  	s1 =	sld [smem:$0x3FA7]  }
0x28: {  	s2 =	sld [smem:$0x3FA8]  }
0x29: {  	s4 =	sld [smem:$0x3FAA]  }
0x2a: {  	p0 =	seq.s32 s5, $0x0;
	s5 =	sld [smem:$0x3FAB]  }
0x2b: {  	s6 =	sld [smem:$0x3FAC]  }
0x2c: {  	s7 =	sld [smem:$0x3FAD]  }
0x2d: {  	s3 =	simm.s32 $0x108;
	s8 =	sld [smem:$0x3FAE]  }
0x2e: {  	s3 =	simm.s32 @!p0 $0x1082;
	s9 =	sld [smem:$0x3FAF]  }
0x2f: {  	lr =	sadd.s32 s0, s3;
	s0 =	sld [smem:$0x3FA6]  }
0x30: {  	s3 =	sld [smem:$0x3FA9]  }
0x31: {  	[smem:$0x3FB2] =	sst s10  }
0x32: {  	s10 =	sld [smem:$0x3FB0];
	_ =	sdelay $0x3  }
0x33: {  	p0 =	seq.s32 s10, $0x1;
	s10 =	sld [smem:$0x3FB2];
	_ =	sdelay $0x3  }
0x34: {  	[smem:$0x3FB2] =	sst s10  }
0x35: {  	s10 =	sld [smem:$0x3FB1];
	_ =	sdelay $0x3  }
0x36: {  	p1 =	seq.s32 s10, $0x1;
	s10 =	sld [smem:$0x3FB2];
	_ =	sdelay $0x3  }
0x37: {  	[smem:$0x3FB2] =	sst s10  }
0x38: {  	s10 =	sld [smem:$0x3FB3]  }
0x39: {  	_ = 	snop;
	(pc) =	sbr.ind lr, $3  }
0x3a: {  	_ = 	snop  }
0x3b: {  	_ = 	snop  }
0x3c: {  	p2 =	seq.s32 s10, $0x1;
	s10 =	sld [smem:$0x3FB2]  }
0x3d: {  	_ =	shalt  }
0x3e: {  	_ =	shalt  }
0x3f: {  	_ =	shalt  }
0x40: {  	_ =	shalt  }
0x41: {  	_ =	shalt  }
0x42: {  	_ =	shalt  }
0x43: {  	_ =	shalt  }
0x44: {  	_ =	shalt  }
0x45: {  	_ =	shalt  }
0x46: {  	_ =	shalt  }
0x47: {  	_ =	shalt  }
0x48: {  	_ =	shalt  }
0x49: {  	_ =	shalt  }
0x4a: {  	_ =	shalt  }
0x4b: {  	_ =	shalt  }
0x4c: {  	_ =	shalt  }
0x4d: {  	_ =	shalt  }
0x4e: {  	_ =	shalt  }
0x4f: {  	_ =	shalt  }
0x50: {  	_ =	shalt  }
0x51: {  	_ =	shalt  }
0x52: {  	_ =	shalt  }
0x53: {  	_ =	shalt  }
0x54: {  	_ =	shalt  }
0x55: {  	_ =	shalt  }
0x56: {  	_ =	shalt  }
0x57: {  	_ =	shalt  }
0x58: {  	_ =	shalt  }
0x59: {  	_ =	shalt  }
0x5a: {  	_ =	shalt  }
0x5b: {  	_ =	shalt  }
0x5c: {  	_ =	shalt  }
0x5d: {  	_ =	shalt  }
0x5e: {  	_ =	shalt  }
0x5f: {  	_ =	shalt  }
0x60: {  	_ =	shalt  }
0x61: {  	_ =	shalt  }
0x62: {  	_ =	shalt  }
0x63: {  	_ =	shalt  }
0x64: {  	_ =	shalt  }
0x65: {  	_ =	shalt  }
0x66: {  	_ =	shalt  }
0x67: {  	_ =	shalt  }
0x68: {  	_ =	shalt  }
0x69: {  	_ =	shalt  }
0x6a: {  	_ =	shalt  }
0x6b: {  	_ =	shalt  }
0x6c: {  	_ =	shalt  }
0x6d: {  	_ =	shalt  }
0x6e: {  	_ =	shalt  }
0x6f: {  	_ =	shalt  }
0x70: {  	_ =	shalt  }
0x71: {  	_ =	shalt  }
0x72: {  	_ =	shalt  }
0x73: {  	_ =	shalt  }
0x74: {  	_ =	shalt  }
0x75: {  	_ =	shalt  }
0x76: {  	_ =	shalt  }
0x77: {  	_ =	shalt  }
0x78: {  	_ =	shalt  }
0x79: {  	_ =	shalt  }
0x7a: {  	_ =	shalt  }
0x7b: {  	_ =	shalt  }
0x7c: {  	_ =	shalt  }
0x7d: {  	_ =	shalt  }
0x7e: {  	_ =	shalt  }
0x7f: {  	_ =	shalt  }
0x80: {  	_ =	shalt  }
0x81: {  	_ =	shalt  }
0x82: {  	_ =	shalt  }
0x83: {  	_ =	shalt  }
0x84: {  	_ =	shalt  }
0x85: {  	_ =	shalt  }
0x86: {  	_ =	shalt  }
0x87: {  	_ =	shalt  }
.Lfunc_end0:
.L_simem_size_0:
called_computation.1_lowered:
.L_overlay_start_0:
0x88: {  	s2 =	sld [smem:$0x3FD9]  }
0x89: {  	s3 =	sld [smem:$0x3FFE];
	_ =	sdelay $0x1  }
0x8a: {  	s1 =	srdreg.scid  }
0x8b: {  	s0 =	sand.u32 $0x1, s1  }
0x8c: {  	s14 =	sshll.u32 s0, $0xA;
	s2 =	sadd.s32 s3, s2  }
0x8d: {  	s2 =	sadd.s32 s2, s14  }
0x8e: {  	[smem:$0x3FBE] =	sst s2  }
0x8f: {  	_ = 	snop  }
0x90: {  	s2 =	sld [smem:$0x3FD0];
	_ =	sdelay $0x2  }
0x91: {  	s15 =	simm.s32 $0xA;
	s4 =	simm.s32 $0x10  }
0x92: {  	[smem:s4], [sflag:s15] =	dma.local [hbm:s2], $0x1  }
0x93: {  	_ =	swait.eq [sflag:s15], $0x1  }
0x94: {  	[sflag:s15] =	ssyncset.done $0x0  }
0x95: {  	s16 =	sld [smem:$0x10];
	[sflag:s15] =	ssyncadd.s32 $0xFFFFFFFF  }
0x96: {  	s17 =	sld [smem:$0x11];
	(tm) =	ssettm $0x1  }
0x97: {  	s18 =	sld [smem:$0x3FFB];
	_ =	sdelay $0x3  }
0x98: {  	_ =	strace s18  }
0x99: {  	s4 =	sld [smem:$0x3FFC];
	_ =	sdelay $0x3  }
0x9a: {  	_ =	strace s4  }
0x9b: {  	s4 =	sld [smem:$0x3FFD];
	_ =	sdelay $0x3  }
0x9c: {  	_ =	strace s4  }
0x9d: {  	_ =	strace $0x8FFFFFFF  }
0x9e: {  	s19 =	sld [smem:$0x3FDB];
	_ =	sdelay $0x1  }
0x9f: {  	s5 =	simm.s32 $_scs_section_size  }
0xa0: {  	s6 =	simm.s32 $_size__tile_overlayer_lowered;
	s7 =	simm.s32 $_tile_overlayer_lowered  }
0xa1: {  	s22 =	simm.s32 $0x1BFF;
	s21 =	sshll.u32 s7, $0x1;
	s4 =	sadd.s32 s5, s19  }
0xa2: {  	s8 =	simm.s32 $0x0;
	s20 =	sshll.u32 s6, $0x1;
	s6 =	sadd.s32 s21, s4  }
0xa3: {  	[timem:s8], [sflag:s22] =	dma.local [hbm:s6], s20  }
0xa4: {  	_ =	swait.ge [sflag:s22], s20  }
0xa5: {  	s5 =	ssub.s32 $0x0, s20;
	[sflag:s22] =	ssyncset.done $0x0  }
0xa6: {  	[sflag:s22] =	ssyncadd.s32 s5;
	_ =	sdelay $0x1  }
0xa7: {  	s23 =	simm.s32 $0x1B8B  }
0xa8: {  	_ =	swait.ge [sflag:s23], $0x1  }
0xa9: {  	[sflag:s23] =	ssyncset.done $0x0  }
0xaa: {  	s25 =	simm.s32 $0x1B8E;
	s24 =	sld [smem:$0x3FFE];
	[sflag:s23] =	ssyncadd.s32 $0xFFFFFFFF  }
0xab: {  	s26 =	simm.s32 $execute0_lowered;
	[smem:$0x3FD2] =	sst s25  }
0xac: {  	s6 =	sshll.u32 s26, $0x1;
	_ =	strace $0x80000049;
	[dreg:$0x1] =	wrdreg $0xFFFFFFFF  }
0xad: {  	s28 =	simm.s32 $_size_execute0_lowered;
	s4 =	sadd.s32 s4, s6;
	[dreg:$0x0] =	wrdreg $0x0  }
0xae: {  	s6 =	sshll.u32 s28, $0x1;
	[dreg:$0x2] =	wrdreg s4  }
0xaf: {  	[dreg:$0x3] =	wrdreg s6  }
0xb0: {  	[dreg:$0x4] =	wrdreg $0xC0  }
0xb1: {  	_ =	task [dreg:s8], $0x5FFFF  }
0xb2: {  	[dreg:$0x1] =	wrdreg $0xFFFFFFFF  }
0xb3: {  	[dreg:$0x0] =	wrdreg $0x60  }
0xb4: {  	[dreg:$0x2] =	wrdreg s16  }
0xb5: {  	[dreg:$0x3] =	wrdreg s24  }
0xb6: {  	[dreg:$0x4] =	wrdreg s17  }
0xb7: {  	[dreg:$0x5] =	wrdreg $0xA0000  }
0xb8: {  	[dreg:$0x6] =	wrdreg $0x9  }
0xb9: {  	_ =	task.clear_ibuf [dreg:s8], $0x7FFFF;
	_ =	strace $0x90000049  }
0xba: {  	s29 =	simm.s32 $0x9;
	_ =	strace $0x8000004B  }
0xbb: {  	_ =	swait.ge [sflag:s29], $0x1  }
0xbc: {  	[sflag:s29] =	ssyncadd.s32 $0xFFFFFFFF  }
0xbd: {  	_ =	strace $0x9000004B  }
0xbe: {  	_ =	sfence  }
0xbf: {  	s30 =	sld [smem:$0x0];
	_ =	sdelay $0x2  }
0xc0: {  	s31 =	sshll.u32 s1, $0xD;
	s1 =	sshrl.u32 s1, $0x2  }
0xc1: {  	s3 =	sand.u32 $0x4000, s31;
	s1 =	sadd.s32 s1, s30  }
0xc2: {  	s0 =	sor.u32 s3, s0;
	s1 =	sshll.u32 s1, $0x11  }
0xc3: {  	s0 =	sor.u32 s1, s0  }
0xc4: {  	s0 =	sadd.s32 $0x8F2B, s0  }
0xc5: {  	[sflag:s0] =	ssyncadd.remote.s32 $0x1  }
0xc6: {  	_ =	sfence.sel $0xFFFF  }
0xc7: {  	[dreg:$0x0] =	wrdreg $0xFFFFFFFF;
	(pc) =	sbr.abs _section_cstart, $3  }
0xc8: {  	[dreg:$0x1] =	wrdreg $0xFFFFFFFF  }
0xc9: {  	_ =	task.clear_ibuf [dreg:s8], $0x2FFFF;
	_ =	strace $0x9FFFFFFF  }
0xca: {  	(tm) =	ssettm $0x7FFFFFFF  }
0xcb: {  	_ =	shalt  }
tec
execute0_lowered:
.L_overlay_start_1:
0x0: {  	(tag) =	ssettag $0x1  }
0x1: {  	s0 =	srdreg.scid;
	s1 =	rddreg [dreg:$0x0]  }
0x2: {  	s10 =	stileid.u32;
	s3 =	rddreg [dreg:$0x1]  }
0x3: {  	s4 =	rddreg [dreg:$0x3];
	s5 =	simm.s32 $0x0;
	s18 =	simm.s32 $0xB  }
0x4: {  	s19 =	simm.s32 $0x80;
	s29 =	simm.s32 $0x9000;
	s30 =	simm.s32 $0x2  }
0x5: {  	s17 =	simm.s32 $0x7;
	s31 =	simm.s32 $0x8;
	s0 =	sand.u32 $0x1, s0  }
0x6: {  	s16 =	simm.s32 $0x5;
	s7 =	smul.u32 $0x14000, s10;
	s2 =	sshll.u32 s0, $0x4  }
0x7: {  	s28 =	simm.s32 $0x9;
	s8 =	smul.u32 $0x140000, s0;
	s2 =	sor.u32 s10, s2  }
0x8: {  	[smem:$0x7FF] =	sst s5;
	s0 =	ssub.s32 $0x2, s0;
	s6 =	smul.u32 $0x2710, s2  }
0x9: {  	_ =	strace $0x8000004A;
	s21 =	sshrl.u32 s0, $0x1;
	s2 =	smul.u32 $0x1E, s2  }
0xa: {  	s20 =	sadd.s32 s7, s8;
	s7 =	sshrl.u32 s7, $0x2;
	s0 =	ssub.s32 s0, s21  }
0xb: {  	s21 =	simm.s32 $0x6000;
	s7 =	sadd.s32 s7, s4;
	s13 =	smax.u32 s0, $0x1  }
0xc: {  	s0 =	simm.s32 $0xC;
	s6 =	sshrl.u32 s6, $0x3;
	s2 =	sadd.s32 s2, s3  }
0xd: {  	s14 =	sshrl.u32 s7, $0x3;
	s7 =	simm.s32 $0x0;
	s9 =	sadd.s32 s6, s3  }
0xe: {  	s6 =	sshrl.u32 s20, $0x3;
	s25 =	sadd.s32 $0x15C00, s2;
	s2 =	sadd.s32 $0x1E00, s2  }
0xf: {  	s20 =	simm.s32 $0x5000;
	s3 =	sadd.s32 s6, s3;
	s6 =	sshll.u32 s10, $0x6  }
0x10: {  	s23 =	sadd.s32 $0x2200, s9;
	s24 =	sadd.s32 $0xBE40, s9;
	[dreg:$0x8] =	wrdreg s25  }
.Ltmp0:
0x11: {  	[dreg:$0x9] =	wrdreg s2;
	s25 =	simm.s32 $0x8000;
	(pc) =	sbr.rel .LBB2_1-.Ltmp0, $4  }
0x12: {  	s2 =	simm.s32 $0x6;
	s22 =	sor.u32 $0x1C0B, s6;
	[dreg:$0x6] =	wrdreg s23  }
0x13: {  	[dreg:$0x7] =	wrdreg s24;
	s26 =	sadd.s32 $0x16000, s3;
	s23 =	simm.s32 $0x7000  }
0x14: {  	s3 =	simm.s32 $0x3;
	s24 =	simm.s32 $0x4;
	[dreg:$0x5] =	wrdreg s22  }
0x15: {  	[dreg:$0xa] =	wrdreg s26;
	s26 =	simm.s32 $0x1;
	s22 =	simm.s32 $0xA  }
.LBB2_4:
0x16: {  	_ =	swait.ge [sflag:s16], $0x1000  }
0x17: {  	[sflag:s16] =	ssyncset.done $0x0  }
0x18: {  	[sflag:s16] =	ssyncadd.s32 $0xFFFFF000  }
0x19: {  	[spmem:s4] =	stream.indirect.scatter.add.f32 [tilespmem:s29], [sflag:$0xA], $0x20, s10, s19, $0xb8;
	[tilespmem:$0xF000] =	vst v63  }
0x1a: {  	_ =	swait.ge [sflag:s2], $0x1000  }
0x1b: {  	[sflag:s2] =	ssyncset.done $0x0  }
0x1c: {  	[sflag:s2] =	ssyncadd.s32 $0xFFFFF000  }
0x1d: {  	_ =	swait.ge [sflag:s17], $0x1000  }
0x1e: {  	[sflag:s17] =	ssyncset.done $0x0  }
0x1f: {  	[sflag:s17] =	ssyncadd.s32 $0xFFFFF000  }
0x20: {  	_ =	swait.ge [sflag:s31], $0x1000  }
0x21: {  	[sflag:s31] =	ssyncset.done $0x0  }
0x22: {  	[sflag:s31] =	ssyncadd.s32 $0xFFFFF000  }
0x23: {  	_ =	swait.ge [sflag:s28], $0x1000  }
0x24: {  	[sflag:s28] =	ssyncset.done $0x0  }
0x25: {  	[sflag:s28] =	ssyncadd.s32 $0xFFFFF000  }
0x26: {  	_ =	swait.ge [sflag:s22], $0x1000  }
0x27: {  	[sflag:s22] =	ssyncset.done $0x0  }
0x28: {  	s7 =	sadd.s32 $0x1, s7;
	[sflag:s22] =	ssyncadd.s32 $0xFFFFF000  }
0x29: {  	s8 =	sor.u32 $0x1C0C, s6;
	p0 =	sne.s32 s7, s13;
	[bflag:$0x0] =	sbarrier.arrive $0xFFFF  }
.Ltmp1:
0x2a: {  	s15 =	simm.s32 $0x10;
	s9 =	rddreg [dreg:$0xa];
	(pc) =	sbr.rel @!p0 .LBB2_5-.Ltmp1, $4  }
0x2b: {  	[hbm:s9@s15], [sflag:s8] =	dma.strided [spmem:s14@s24], $0xA00, s26, $0x4   }
0x2c: {  	_ =	swait.ge [sflag:s0], $0xA00  }
0x2d: {  	[sflag:s0] =	ssyncset.done $0x0  }
0x2e: {  	[sflag:s0] =	ssyncadd.s32 $0xFFFFF600  }
.LBB2_1:
0x2f: {  	s8 =	rddreg [dreg:$0x2]  }
0x30: {  	s9 =	rddreg [dreg:$0x5]  }
0x31: {  	[spmem:s14], [sflag:s9] =	dma.local [hbm:s8], $0xA00  }
0x32: {  	s8 =	rddreg [dreg:$0x6]  }
0x33: {  	[tilespmem:s5], [sflag:$0xB] =	stream.linear.gather [hbm4b:s8+s5], $0x2710, $0x38;
	[tilespmem:$0xF000] =	vst v63  }
0x34: {  	s9 =	simm.s32 $0x2800;
	s12 =	rddreg [dreg:$0x7]  }
0x35: {  	[tilespmem:s9], [sflag:$0xB] =	stream.linear.gather [hbm4b:s12+s5], $0x2710, $0x38;
	[tilespmem:$0xF000] =	vst v63  }
0x36: {  	s10 =	simm.s32 $0x2710;
	s15 =	rddreg [dreg:$0x8]  }
0x37: {  	[tilespmem:s10], [sflag:$0xB] =	stream.linear.gather [hbm4b:s15+s5], $0xF0, $0x38;
	[tilespmem:$0xF000] =	vst v63  }
0x38: {  	s11 =	simm.s32 $0x4F10;
	s10 =	rddreg [dreg:$0x9]  }
0x39: {  	[tilespmem:s11], [sflag:$0xB] =	stream.linear.gather [hbm4b:s10+s5], $0xF0, $0x38;
	[tilespmem:$0xF000] =	vst v63  }
0x3a: {  	_ =	swait.ge [sflag:s18], $0xA00  }
0x3b: {  	[sflag:s18] =	ssyncset.done $0x0  }
0x3c: {  	[sflag:s18] =	ssyncadd.s32 $0xFFFFF600  }
0x3d: {  	_ =	swait.ge [sflag:s18], $0x2710  }
0x3e: {  	[sflag:s18] =	ssyncset.done $0x0  }
0x3f: {  	[sflag:s18] =	ssyncadd.s32 $0xFFFFD8F0  }
0x40: {  	_ =	swait.ge [sflag:s18], $0x2710  }
0x41: {  	[sflag:s18] =	ssyncset.done $0x0  }
0x42: {  	[sflag:s18] =	ssyncadd.s32 $0xFFFFD8F0  }
0x43: {  	_ =	swait.ge [sflag:s18], $0xF0  }
0x44: {  	[sflag:s18] =	ssyncset.done $0x0  }
0x45: {  	[sflag:s18] =	ssyncadd.s32 $0xFFFFFF10  }
0x46: {  	_ =	swait.ge [sflag:s18], $0xF0  }
0x47: {  	[sflag:s18] =	ssyncset.done $0x0  }
0x48: {  	[sflag:s18] =	ssyncadd.s32 $0xFFFFFF10  }
0x49: {  	[bflag:$0x0] =	sbarrier.arrive $0xFFFF  }
0x4a: {  	[tilespmem:s20], [sflag:$0x1] =	stream.indirect.gather [hbm4b:s1+s19], $0x20, s5, s19, $0xb8;
	[tilespmem:$0xF000] =	vst v63  }
0x4b: {  	_ = 	snop  }
0x4c: {  	[tilespmem:s21], [sflag:$0x2] =	stream.indirect.gather [hbm4b:s1+s19], $0x20, s19, s19, $0xb8;
	[tilespmem:$0xF000] =	vst v63  }
0x4d: {  	s12 =	simm.s32 $0x100  }
0x4e: {  	[tilespmem:s23], [sflag:$0x3] =	stream.indirect.gather [hbm4b:s1+s19], $0x20, s12, s19, $0xb8;
	[tilespmem:$0xF000] =	vst v63  }
0x4f: {  	s15 =	simm.s32 $0x180  }
0x50: {  	[tilespmem:s25], [sflag:$0x4] =	stream.indirect.gather [hbm4b:s1+s19], $0x20, s15, s19, $0xb8;
	[tilespmem:$0xF000] =	vst v63  }
0x51: {  	_ =	swait.ge [sflag:s26], $0x1000  }
0x52: {  	[sflag:s26] =	ssyncset.done $0x0  }
0x53: {  	[sflag:s26] =	ssyncadd.s32 $0xFFFFF000  }
0x54: {  	[spmem:s4] =	stream.indirect.scatter.add.f32 [tilespmem:s20], [sflag:$0x6], $0x20, s9, s19, $0xb8;
	[tilespmem:$0xF000] =	vst v63  }
0x55: {  	s10 =	simm.s32 $0x200  }
0x56: {  	[tilespmem:s29], [sflag:$0x5] =	stream.indirect.gather [hbm4b:s1+s19], $0x20, s10, s19, $0xb8;
	[tilespmem:$0xF000] =	vst v63  }
0x57: {  	_ =	swait.ge [sflag:s30], $0x1000  }
0x58: {  	[sflag:s30] =	ssyncset.done $0x0  }
0x59: {  	s11 =	simm.s32 $0x2880;
	[sflag:s30] =	ssyncadd.s32 $0xFFFFF000  }
0x5a: {  	[spmem:s4] =	stream.indirect.scatter.add.f32 [tilespmem:s21], [sflag:$0x7], $0x20, s11, s19, $0xb8;
	[tilespmem:$0xF000] =	vst v63  }
0x5b: {  	_ =	swait.ge [sflag:s2], $0x1000  }
0x5c: {  	[sflag:s2] =	ssyncset.done $0x0  }
0x5d: {  	s12 =	simm.s32 $0x280;
	[sflag:s2] =	ssyncadd.s32 $0xFFFFF000  }
0x5e: {  	[tilespmem:s20], [sflag:$0x1] =	stream.indirect.gather [hbm4b:s1+s19], $0x20, s12, s19, $0xb8;
	[tilespmem:$0xF000] =	vst v63  }
0x5f: {  	_ =	swait.ge [sflag:s3], $0x1000  }
0x60: {  	[sflag:s3] =	ssyncset.done $0x0  }
0x61: {  	s15 =	simm.s32 $0x2900;
	[sflag:s3] =	ssyncadd.s32 $0xFFFFF000  }
0x62: {  	[spmem:s4] =	stream.indirect.scatter.add.f32 [tilespmem:s23], [sflag:$0x8], $0x20, s15, s19, $0xb8;
	[tilespmem:$0xF000] =	vst v63  }
0x63: {  	_ =	swait.ge [sflag:s17], $0x1000  }
0x64: {  	[sflag:s17] =	ssyncset.done $0x0  }
0x65: {  	s9 =	simm.s32 $0x300;
	[sflag:s17] =	ssyncadd.s32 $0xFFFFF000  }
0x66: {  	[tilespmem:s21], [sflag:$0x2] =	stream.indirect.gather [hbm4b:s1+s19], $0x20, s9, s19, $0xb8;
	[tilespmem:$0xF000] =	vst v63  }
0x67: {  	_ =	swait.ge [sflag:s24], $0x1000  }
0x68: {  	[sflag:s24] =	ssyncset.done $0x0  }
0x69: {  	s10 =	simm.s32 $0x2980;
	[sflag:s24] =	ssyncadd.s32 $0xFFFFF000  }
0x6a: {  	[spmem:s4] =	stream.indirect.scatter.add.f32 [tilespmem:s25], [sflag:$0x9], $0x20, s10, s19, $0xb8;
	[tilespmem:$0xF000] =	vst v63  }
0x6b: {  	_ =	swait.ge [sflag:s31], $0x1000  }
0x6c: {  	[sflag:s31] =	ssyncset.done $0x0  }
0x6d: {  	s11 =	simm.s32 $0x380;
	[sflag:s31] =	ssyncadd.s32 $0xFFFFF000  }
0x6e: {  	[tilespmem:s23], [sflag:$0x3] =	stream.indirect.gather [hbm4b:s1+s19], $0x20, s11, s19, $0xb8;
	[tilespmem:$0xF000] =	vst v63  }
0x6f: {  	_ =	swait.ge [sflag:s16], $0x1000  }
0x70: {  	[sflag:s16] =	ssyncset.done $0x0  }
0x71: {  	s12 =	simm.s32 $0x2A00;
	[sflag:s16] =	ssyncadd.s32 $0xFFFFF000  }
0x72: {  	[spmem:s4] =	stream.indirect.scatter.add.f32 [tilespmem:s29], [sflag:$0xA], $0x20, s12, s19, $0xb8;
	[tilespmem:$0xF000] =	vst v63  }
0x73: {  	_ =	swait.ge [sflag:s28], $0x1000  }
0x74: {  	[sflag:s28] =	ssyncset.done $0x0  }
0x75: {  	s8 =	simm.s32 $0x0;
	s15 =	simm.s32 $0x400;
	[sflag:s28] =	ssyncadd.s32 $0xFFFFF000  }
0x76: {  	[tilespmem:s25], [sflag:$0x4] =	stream.indirect.gather [hbm4b:s1+s19], $0x20, s15, s19, $0xb8;
	[tilespmem:$0xF000] =	vst v63  }
.LBB2_2:
0x77: {  	_ =	swait.ge [sflag:s26], $0x1000  }
0x78: {  	s9 =	sshra.s32 s8, $0x2;
	[sflag:s26] =	ssyncset.done $0x0  }
0x79: {  	s10 =	sadd.s32 $0x2A80, s9;
	[sflag:s26] =	ssyncadd.s32 $0xFFFFF000  }
0x7a: {  	[spmem:s4] =	stream.indirect.scatter.add.f32 [tilespmem:s20], [sflag:$0x6], $0x20, s10, s19, $0xb8;
	[tilespmem:$0xF000] =	vst v63  }
0x7b: {  	_ =	swait.ge [sflag:s22], $0x1000  }
0x7c: {  	[sflag:s22] =	ssyncset.done $0x0  }
0x7d: {  	s11 =	sadd.s32 $0x480, s9;
	[sflag:s22] =	ssyncadd.s32 $0xFFFFF000  }
0x7e: {  	[tilespmem:s29], [sflag:$0x5] =	stream.indirect.gather [hbm4b:s1+s19], $0x20, s11, s19, $0xb8;
	[tilespmem:$0xF000] =	vst v63  }
0x7f: {  	_ =	swait.ge [sflag:s30], $0x1000  }
0x80: {  	p0 =	seq.s32 s8, $0x8C00;
	[sflag:s30] =	ssyncset.done $0x0  }
0x81: {  	s12 =	sadd.s32 $0x2B00, s9;
	s10 =	simm.s32 @p0 $0x3;
	[sflag:s30] =	ssyncadd.s32 $0xFFFFF000  }
0x82: {  	[spmem:s4] =	stream.indirect.scatter.add.f32 [tilespmem:s21], [sflag:$0x7], $0x20, s12, s19, $0xb8;
	[tilespmem:$0xF000] =	vst v63  }
0x83: {  	_ =	swait.ge @p0 [sflag:s10], $0x1000  }
0x84: {  	[sflag:s10] =	ssyncset.done @p0 $0x0  }
0x85: {  	[sflag:s10] =	ssyncadd.s32 @p0 $0xFFFFF000;
	s10 =	sshra.s32 @p0 s8, $0x2  }
0x86: {  	s15 =	simm.s32 @p0 $0x7000;
	s11 =	simm.s32 @p0 $0x80;
	s10 =	sadd.s32 @p0 $0x2B80, s10  }
0x87: {  	[spmem:s4] =	stream.indirect.scatter.add.f32 @p0 [tilespmem:s15], [sflag:$0x8], $0x20, s10, s11, $0xb8;
	[tilespmem:$0xF000] =	vst v63  }
0x88: {  	s10 =	simm.s32 @!p0 $0x6  }
0x89: {  	_ =	swait.ge @!p0 [sflag:s10], $0x1000  }
0x8a: {  	[sflag:s10] =	ssyncset.done @!p0 $0x0  }
0x8b: {  	[sflag:s10] =	ssyncadd.s32 @!p0 $0xFFFFF000;
	s10 =	sshra.s32 @!p0 s8, $0x2  }
0x8c: {  	s12 =	simm.s32 @!p0 $0x5000;
	s15 =	simm.s32 @!p0 $0x80;
	s11 =	sadd.s32 @!p0 $0x500, s10  }
0x8d: {  	[tilespmem:s12], [sflag:$0x1] =	stream.indirect.gather @!p0 [hbm4b:s1+s15], $0x20, s11, s15, $0xb8;
	[tilespmem:$0xF000] =	vst v63  }
0x8e: {  	s11 =	simm.s32 @!p0 $0x3  }
0x8f: {  	_ =	swait.ge @!p0 [sflag:s11], $0x1000  }
0x90: {  	[sflag:s11] =	ssyncset.done @!p0 $0x0  }
0x91: {  	s12 =	simm.s32 @!p0 $0x7000;
	[sflag:s11] =	ssyncadd.s32 @!p0 $0xFFFFF000;
	s11 =	sadd.s32 @!p0 $0x2B80, s10  }
0x92: {  	[spmem:s4] =	stream.indirect.scatter.add.f32 @!p0 [tilespmem:s12], [sflag:$0x8], $0x20, s11, s15, $0xb8;
	[tilespmem:$0xF000] =	vst v63  }
0x93: {  	s11 =	simm.s32 @!p0 $0x7  }
0x94: {  	_ =	swait.ge @!p0 [sflag:s11], $0x1000  }
0x95: {  	[sflag:s11] =	ssyncset.done @!p0 $0x0  }
0x96: {  	s10 =	sadd.s32 @!p0 $0x580, s10;
	[sflag:s11] =	ssyncadd.s32 @!p0 $0xFFFFF000;
	s11 =	simm.s32 @!p0 $0x6000  }
0x97: {  	[tilespmem:s11], [sflag:$0x2] =	stream.indirect.gather @!p0 [hbm4b:s1+s15], $0x20, s10, s15, $0xb8;
	[tilespmem:$0xF000] =	vst v63  }
.Ltmp2:
0x98: {  	_ = 	snop;
	(pc) =	sbr.rel @p0 .LBB2_4-.Ltmp2, $4  }
0x99: {  	_ =	swait.ge [sflag:s24], $0x1000  }
0x9a: {  	[sflag:s24] =	ssyncset.done $0x0  }
0x9b: {  	s15 =	sadd.s32 $0x2C00, s9;
	s10 =	sadd.s32 $0x2C80, s9;
	[sflag:s24] =	ssyncadd.s32 $0xFFFFF000  }
0x9c: {  	[spmem:s4] =	stream.indirect.scatter.add.f32 [tilespmem:s25], [sflag:$0x9], $0x20, s15, s19, $0xb8;
	[tilespmem:$0xF000] =	vst v63  }
0x9d: {  	_ =	swait.ge [sflag:s31], $0x1000  }
0x9e: {  	[sflag:s31] =	ssyncset.done $0x0  }
0x9f: {  	s11 =	sadd.s32 $0x600, s9;
	[sflag:s31] =	ssyncadd.s32 $0xFFFFF000  }
0xa0: {  	[tilespmem:s23], [sflag:$0x3] =	stream.indirect.gather [hbm4b:s1+s19], $0x20, s11, s19, $0xb8;
	[tilespmem:$0xF000] =	vst v63  }
0xa1: {  	_ =	swait.ge [sflag:s16], $0x1000  }
0xa2: {  	[sflag:s16] =	ssyncset.done $0x0  }
0xa3: {  	[sflag:s16] =	ssyncadd.s32 $0xFFFFF000  }
0xa4: {  	[spmem:s4] =	stream.indirect.scatter.add.f32 [tilespmem:s29], [sflag:$0xA], $0x20, s10, s19, $0xb8;
	[tilespmem:$0xF000] =	vst v63  }
.Ltmp3:
0xa5: {  	_ = 	snop;
	(pc) =	sbr.rel .LBB2_2-.Ltmp3, $4  }
0xa6: {  	_ =	swait.ge [sflag:s28], $0x1000  }
0xa7: {  	[sflag:s28] =	ssyncset.done $0x0  }
0xa8: {  	s15 =	sadd.s32 $0x680, s9;
	s8 =	sadd.s32 $0xA00, s8;
	[sflag:s28] =	ssyncadd.s32 $0xFFFFF000  }
0xa9: {  	[tilespmem:s25], [sflag:$0x4] =	stream.indirect.gather [hbm4b:s1+s19], $0x20, s15, s19, $0xb8;
	[tilespmem:$0xF000] =	vst v63  }
.LBB2_5:
0xaa: {  	_ =	sfence.sel $0x180000  }
0xab: {  	[bflag:$0x0] =	sbarrier.arrive $0xFFFF  }
0xac: {  	_ =	strace $0x9000004A  }
0xad: {  	s0 =	stileid.u32;
	[bflag:$0x2] =	sbarrier.arrive $0xFFFF  }
0xae: {  	p0 =	sne.s32 s0, $0x0;
	s0 =	rddreg [dreg:$0x4]  }
0xaf: {  	s0 =	sadd.s32 @!p0 $0x100000, s0  }
0xb0: {  	[sflag:s0] =	ssyncadd.tile.s32 @!p0 $0x1;
	_ =	shalt  }
.Lfunc_end2:
_tile_overlayer_lowered:
.L_overlay_start_2:
0xb1: {  	(tag) =	ssettag $0x2  }
0xb2: {  	s0 =	rddreg [dreg:$0x0];
	s2 =	stileid.u32  }
0xb3: {  	s1 =	rddreg [dreg:$0x1];
	p0 =	sne.s32 s2, $0x0  }
0xb4: {  	s3 =	rddreg [dreg:$0x2];
	[bflag:$0x3] =	sbarrier.arrive $0xFFFF;
	s2 =	simm.s32 @!p0 $0x1C0C  }
0xb5: {  	[timem:s3], [sflag:s2] =	dma.local @!p0 [hbm:s0], s1  }
0xb6: {  	s0 =	simm.s32 @!p0 $0xC  }
0xb7: {  	_ =	swait.ge @!p0 [sflag:s0], s1  }
0xb8: {  	s1 =	ssub.s32 @!p0 $0x0, s1;
	[sflag:s0] =	ssyncset.done @!p0 $0x0  }
0xb9: {  	[sflag:s0] =	ssyncadd.s32 @!p0 s1  }
0xba: {  	[bflag:$0x3] =	sbarrier.arrive $0xFFFF  }
0xbb: {  	_ =	shalt  }

// kernel: kernel.7.cloned.1.call-start
scs
__scs_entry_jumppad:
0x0: {  	(pc) =	sbr.rel $0x88, $3  }
0x1: {  	(tag) =	ssettag $0x0;
	lr =	simm.s32 $0x1  }
0x2: {  	[smem:$0x3F97] =	sst lr;
	_ =	strace $0xD0000000  }
0x3: {  	_ = 	snop  }
0x4: {  	_ = 	snop  }
0x5: {  	_ = 	snop  }
0x6: {  	_ = 	snop  }
0x7: {  	_ = 	snop  }
__scs_overlays_trampoline_lowered:
0x8: {  	[smem:$0x3FA6] =	sst s0  }
0x9: {  	[smem:$0x3FA7] =	sst s1  }
0xa: {  	[smem:$0x3FA8] =	sst s2  }
0xb: {  	[smem:$0x3FA9] =	sst s3  }
0xc: {  	[smem:$0x3FAA] =	sst s4  }
0xd: {  	[smem:$0x3FAB] =	sst s5  }
0xe: {  	[smem:$0x3FAC] =	sst s6  }
0xf: {  	[smem:$0x3FAD] =	sst s7  }
0x10: {  	[smem:$0x3FAE] =	sst s8  }
0x11: {  	[smem:$0x3FAF] =	sst s9;
	s0 =	simm.s32 @!p0 $0x0  }
0x12: {  	s1 =	sld [smem:$0x3F95];
	s0 =	simm.s32 @p0 $0x1  }
0x13: {  	[smem:$0x3FB0] =	sst s0;
	s0 =	simm.s32 @!p1 $0x0  }
0x14: {  	s2 =	sld [smem:$0x3F94];
	s0 =	simm.s32 @p1 $0x1  }
0x15: {  	[smem:$0x3FB1] =	sst s0;
	s0 =	simm.s32 @!p2 $0x0  }
0x16: {  	s3 =	sld [smem:$0x3FDB];
	s0 =	simm.s32 @p2 $0x1  }
0x17: {  	s4 =	simm.s32 $0x1BF5;
	[smem:$0x3FB3] =	sst s0  }
0x18: {  	s0 =	sld [smem:$0x3F96];
	_ =	swait.ge [sflag:s4], $0x0  }
0x19: {  	s7 =	sld [smem:$0x3F97]  }
0x1a: {  	s8 =	sadd.s32 $0xFFFFE003, lr  }
0x1b: {  	s9 =	sadd.s32 $0xFFFFFEF7, lr;
	s5 =	simm.s32 $0xFFFFFFFF;
	p2 =	slt.u32 s8, $0xFFFFF086  }
0x1c: {  	p1 =	slt.u32 s9, $0xF7A;
	s5 =	simm.s32 @!p2 $0x0  }
0x1d: {  	s5 =	simm.s32 @p1 $0x1;
	p0 =	seq.s32 s7, s2  }
0x1e: {  	s7 =	smul.u32 @!p0 $0xF7A, s2;
	p2 =	seq.s32 @!p0 s5, $0x0  }
0x1f: {  	s9 =	smul.u32 $0xF7A, s1;
	s8 =	simm.s32 @!p0 $0x1BF5;
	p2 =	por !p2, p0  }
0x20: {  	[sflag:s8] =	ssyncset.s32 @!p0 $0xFFFFF086;
	s6 =	sadd.s32 @!p0 s3, s7;
	s7 =	simm.s32 @!p0 $0x108  }
0x21: {  	s3 =	sadd.s32 s3, s9;
	s6 =	sadd.s32 @!p0 $0x88, s6;
	s7 =	simm.s32 @p2 $0x1082  }
0x22: {  	[simem:s7], [sflag:s8] =	dma.local @!p0 [hbm:s6], $0xF7A  }
0x23: {  	s9 =	sor.u32 $0xD0000000, s2;
	s6 =	simm.s32 $0x108;
	_ =	swait.ge @!p0 [sflag:s8], $0x0  }
0x24: {  	s3 =	sadd.s32 $0x88, s3;
	s6 =	simm.s32 @!p1 $0x1082;
	[sflag:s4] =	ssyncset.s32 $0xFFFFF086  }
0x25: {  	[simem:s6], [sflag:s4] =	dma.local [hbm:s3], $0xF7A  }
0x26: {  	[smem:$0x3F97] =	sst s1;
	(tag) =	ssettag s2;
	_ =	strace s9  }
0x27: {  	s1 =	sld [smem:$0x3FA7]  }
0x28: {  	s2 =	sld [smem:$0x3FA8]  }
0x29: {  	s4 =	sld [smem:$0x3FAA]  }
0x2a: {  	p0 =	seq.s32 s5, $0x0;
	s5 =	sld [smem:$0x3FAB]  }
0x2b: {  	s6 =	sld [smem:$0x3FAC]  }
0x2c: {  	s7 =	sld [smem:$0x3FAD]  }
0x2d: {  	s3 =	simm.s32 $0x108;
	s8 =	sld [smem:$0x3FAE]  }
0x2e: {  	s3 =	simm.s32 @!p0 $0x1082;
	s9 =	sld [smem:$0x3FAF]  }
0x2f: {  	lr =	sadd.s32 s0, s3;
	s0 =	sld [smem:$0x3FA6]  }
0x30: {  	s3 =	sld [smem:$0x3FA9]  }
0x31: {  	[smem:$0x3FB2] =	sst s10  }
0x32: {  	s10 =	sld [smem:$0x3FB0];
	_ =	sdelay $0x3  }
0x33: {  	p0 =	seq.s32 s10, $0x1;
	s10 =	sld [smem:$0x3FB2];
	_ =	sdelay $0x3  }
0x34: {  	[smem:$0x3FB2] =	sst s10  }
0x35: {  	s10 =	sld [smem:$0x3FB1];
	_ =	sdelay $0x3  }
0x36: {  	p1 =	seq.s32 s10, $0x1;
	s10 =	sld [smem:$0x3FB2];
	_ =	sdelay $0x3  }
0x37: {  	[smem:$0x3FB2] =	sst s10  }
0x38: {  	s10 =	sld [smem:$0x3FB3]  }
0x39: {  	_ = 	snop;
	(pc) =	sbr.ind lr, $3  }
0x3a: {  	_ = 	snop  }
0x3b: {  	_ = 	snop  }
0x3c: {  	p2 =	seq.s32 s10, $0x1;
	s10 =	sld [smem:$0x3FB2]  }
0x3d: {  	_ =	shalt  }
0x3e: {  	_ =	shalt  }
0x3f: {  	_ =	shalt  }
0x40: {  	_ =	shalt  }
0x41: {  	_ =	shalt  }
0x42: {  	_ =	shalt  }
0x43: {  	_ =	shalt  }
0x44: {  	_ =	shalt  }
0x45: {  	_ =	shalt  }
0x46: {  	_ =	shalt  }
0x47: {  	_ =	shalt  }
0x48: {  	_ =	shalt  }
0x49: {  	_ =	shalt  }
0x4a: {  	_ =	shalt  }
0x4b: {  	_ =	shalt  }
0x4c: {  	_ =	shalt  }
0x4d: {  	_ =	shalt  }
0x4e: {  	_ =	shalt  }
0x4f: {  	_ =	shalt  }
0x50: {  	_ =	shalt  }
0x51: {  	_ =	shalt  }
0x52: {  	_ =	shalt  }
0x53: {  	_ =	shalt  }
0x54: {  	_ =	shalt  }
0x55: {  	_ =	shalt  }
0x56: {  	_ =	shalt  }
0x57: {  	_ =	shalt  }
0x58: {  	_ =	shalt  }
0x59: {  	_ =	shalt  }
0x5a: {  	_ =	shalt  }
0x5b: {  	_ =	shalt  }
0x5c: {  	_ =	shalt  }
0x5d: {  	_ =	shalt  }
0x5e: {  	_ =	shalt  }
0x5f: {  	_ =	shalt  }
0x60: {  	_ =	shalt  }
0x61: {  	_ =	shalt  }
0x62: {  	_ =	shalt  }
0x63: {  	_ =	shalt  }
0x64: {  	_ =	shalt  }
0x65: {  	_ =	shalt  }
0x66: {  	_ =	shalt  }
0x67: {  	_ =	shalt  }
0x68: {  	_ =	shalt  }
0x69: {  	_ =	shalt  }
0x6a: {  	_ =	shalt  }
0x6b: {  	_ =	shalt  }
0x6c: {  	_ =	shalt  }
0x6d: {  	_ =	shalt  }
0x6e: {  	_ =	shalt  }
0x6f: {  	_ =	shalt  }
0x70: {  	_ =	shalt  }
0x71: {  	_ =	shalt  }
0x72: {  	_ =	shalt  }
0x73: {  	_ =	shalt  }
0x74: {  	_ =	shalt  }
0x75: {  	_ =	shalt  }
0x76: {  	_ =	shalt  }
0x77: {  	_ =	shalt  }
0x78: {  	_ =	shalt  }
0x79: {  	_ =	shalt  }
0x7a: {  	_ =	shalt  }
0x7b: {  	_ =	shalt  }
0x7c: {  	_ =	shalt  }
0x7d: {  	_ =	shalt  }
0x7e: {  	_ =	shalt  }
0x7f: {  	_ =	shalt  }
0x80: {  	_ =	shalt  }
0x81: {  	_ =	shalt  }
0x82: {  	_ =	shalt  }
0x83: {  	_ =	shalt  }
0x84: {  	_ =	shalt  }
0x85: {  	_ =	shalt  }
0x86: {  	_ =	shalt  }
0x87: {  	_ =	shalt  }
.Lfunc_end0:
.L_simem_size_0:
called_computation_lowered:
.L_overlay_start_0:
0x88: {  	s2 =	sld [smem:$0x3FD9]  }
0x89: {  	s3 =	sld [smem:$0x3FFE];
	_ =	sdelay $0x1  }
0x8a: {  	s1 =	srdreg.scid  }
0x8b: {  	s0 =	sand.u32 $0x1, s1  }
0x8c: {  	s14 =	sshll.u32 s0, $0xA;
	s2 =	sadd.s32 s3, s2  }
0x8d: {  	s2 =	sadd.s32 s2, s14  }
0x8e: {  	[smem:$0x3FBE] =	sst s2  }
0x8f: {  	_ = 	snop  }
0x90: {  	s2 =	sld [smem:$0x3FD0];
	_ =	sdelay $0x2  }
0x91: {  	s15 =	simm.s32 $0xA;
	s4 =	simm.s32 $0x10  }
0x92: {  	[smem:s4], [sflag:s15] =	dma.local [hbm:s2], $0x1  }
0x93: {  	_ =	swait.eq [sflag:s15], $0x1  }
0x94: {  	[sflag:s15] =	ssyncset.done $0x0  }
0x95: {  	s16 =	sld [smem:$0x10];
	[sflag:s15] =	ssyncadd.s32 $0xFFFFFFFF  }
0x96: {  	s17 =	sld [smem:$0x11];
	(tm) =	ssettm $0x1  }
0x97: {  	s18 =	sld [smem:$0x3FFB];
	_ =	sdelay $0x3  }
0x98: {  	_ =	strace s18  }
0x99: {  	s4 =	sld [smem:$0x3FFC];
	_ =	sdelay $0x3  }
0x9a: {  	_ =	strace s4  }
0x9b: {  	s4 =	sld [smem:$0x3FFD];
	_ =	sdelay $0x3  }
0x9c: {  	_ =	strace s4  }
0x9d: {  	_ =	strace $0x8FFFFFFF  }
0x9e: {  	s19 =	sld [smem:$0x3FDB];
	_ =	sdelay $0x1  }
0x9f: {  	s5 =	simm.s32 $_scs_section_size  }
0xa0: {  	s6 =	simm.s32 $_size__tile_overlayer_lowered;
	s7 =	simm.s32 $_tile_overlayer_lowered  }
0xa1: {  	s22 =	simm.s32 $0x1BFF;
	s21 =	sshll.u32 s7, $0x1;
	s4 =	sadd.s32 s5, s19  }
0xa2: {  	s8 =	simm.s32 $0x0;
	s20 =	sshll.u32 s6, $0x1;
	s6 =	sadd.s32 s21, s4  }
0xa3: {  	[timem:s8], [sflag:s22] =	dma.local [hbm:s6], s20  }
0xa4: {  	_ =	swait.ge [sflag:s22], s20  }
0xa5: {  	s5 =	ssub.s32 $0x0, s20;
	[sflag:s22] =	ssyncset.done $0x0  }
0xa6: {  	[sflag:s22] =	ssyncadd.s32 s5;
	_ =	sdelay $0x1  }
0xa7: {  	s23 =	simm.s32 $0x1B8B  }
0xa8: {  	_ =	swait.ge [sflag:s23], $0x1  }
0xa9: {  	[sflag:s23] =	ssyncset.done $0x0  }
0xaa: {  	s25 =	simm.s32 $0x1B8E;
	s24 =	sld [smem:$0x3FFE];
	[sflag:s23] =	ssyncadd.s32 $0xFFFFFFFF  }
0xab: {  	s26 =	simm.s32 $execute0_lowered;
	[smem:$0x3FD2] =	sst s25  }
0xac: {  	s6 =	sshll.u32 s26, $0x1;
	_ =	strace $0x80000046;
	[dreg:$0x1] =	wrdreg $0xFFFFFFFF  }
0xad: {  	s28 =	simm.s32 $_size_execute0_lowered;
	s4 =	sadd.s32 s4, s6;
	[dreg:$0x0] =	wrdreg $0x0  }
0xae: {  	s6 =	sshll.u32 s28, $0x1;
	[dreg:$0x2] =	wrdreg s4  }
0xaf: {  	[dreg:$0x3] =	wrdreg s6  }
0xb0: {  	[dreg:$0x4] =	wrdreg $0xC0  }
0xb1: {  	_ =	task [dreg:s8], $0x5FFFF  }
0xb2: {  	[dreg:$0x1] =	wrdreg $0xFFFFFFFF  }
0xb3: {  	[dreg:$0x0] =	wrdreg $0x60  }
0xb4: {  	[dreg:$0x2] =	wrdreg s17  }
0xb5: {  	[dreg:$0x3] =	wrdreg s24  }
0xb6: {  	[dreg:$0x4] =	wrdreg s16  }
0xb7: {  	[dreg:$0x5] =	wrdreg $0x118000  }
0xb8: {  	[dreg:$0x6] =	wrdreg $0x9  }
0xb9: {  	_ =	task.clear_ibuf [dreg:s8], $0x7FFFF;
	_ =	strace $0x90000046  }
0xba: {  	s29 =	simm.s32 $0x9;
	_ =	strace $0x80000048  }
0xbb: {  	_ =	swait.ge [sflag:s29], $0x1  }
0xbc: {  	[sflag:s29] =	ssyncadd.s32 $0xFFFFFFFF  }
0xbd: {  	_ =	strace $0x90000048  }
0xbe: {  	_ =	sfence  }
0xbf: {  	s30 =	sld [smem:$0x0];
	_ =	sdelay $0x2  }
0xc0: {  	s31 =	sshll.u32 s1, $0xD;
	s1 =	sshrl.u32 s1, $0x2  }
0xc1: {  	s3 =	sand.u32 $0x4000, s31;
	s1 =	sadd.s32 s1, s30  }
0xc2: {  	s0 =	sor.u32 s3, s0;
	s1 =	sshll.u32 s1, $0x11  }
0xc3: {  	s0 =	sor.u32 s1, s0  }
0xc4: {  	s0 =	sadd.s32 $0x8F2B, s0  }
0xc5: {  	[sflag:s0] =	ssyncadd.remote.s32 $0x1  }
0xc6: {  	_ =	sfence.sel $0xFFFF  }
0xc7: {  	[dreg:$0x0] =	wrdreg $0xFFFFFFFF;
	(pc) =	sbr.abs _section_cstart, $3  }
0xc8: {  	[dreg:$0x1] =	wrdreg $0xFFFFFFFF  }
0xc9: {  	_ =	task.clear_ibuf [dreg:s8], $0x2FFFF;
	_ =	strace $0x9FFFFFFF  }
0xca: {  	(tm) =	ssettm $0x7FFFFFFF  }
0xcb: {  	_ =	shalt  }
tec
execute0_lowered:
.L_overlay_start_1:
0x0: {  	(tag) =	ssettag $0x1  }
0x1: {  	s1 =	rddreg [dreg:$0x0]  }
0x2: {  	s0 =	srdreg.scid;
	s2 =	rddreg [dreg:$0x1]  }
0x3: {  	s10 =	stileid.u32;
	s4 =	rddreg [dreg:$0x3]  }
0x4: {  	s5 =	simm.s32 $0x0;
	s18 =	simm.s32 $0xB;
	s19 =	simm.s32 $0x80  }
0x5: {  	s29 =	simm.s32 $0xF000;
	s30 =	simm.s32 $0x2;
	s17 =	simm.s32 $0x7  }
0x6: {  	s31 =	simm.s32 $0x8;
	s0 =	sand.u32 $0x1, s0;
	s8 =	smul.u32 $0x14000, s10  }
0x7: {  	s16 =	simm.s32 $0x5;
	s21 =	smul.u32 $0x32000, s10;
	s3 =	sshll.u32 s0, $0x4  }
0x8: {  	s28 =	simm.s32 $0x9;
	s7 =	smul.u32 $0x140000, s0;
	s3 =	sor.u32 s10, s3  }
0x9: {  	[smem:$0x7FF] =	sst s5;
	s0 =	ssub.s32 $0x2, s0;
	s6 =	smul.u32 $0x2710, s3  }
0xa: {  	_ =	strace $0x80000047;
	s22 =	sshrl.u32 s0, $0x1;
	s3 =	smul.u32 $0x1E, s3  }
0xb: {  	s20 =	sadd.s32 s8, s7;
	s7 =	sshrl.u32 s21, $0x2;
	s0 =	ssub.s32 s0, s22  }
0xc: {  	s21 =	simm.s32 $0x7800;
	s22 =	simm.s32 $0xA;
	s7 =	sadd.s32 s7, s4  }
0xd: {  	s13 =	smax.u32 s0, $0x1;
	s0 =	simm.s32 $0xC;
	s6 =	sshrl.u32 s6, $0x3  }
0xe: {  	s3 =	sadd.s32 s3, s2;
	s14 =	sshrl.u32 s7, $0x3;
	s7 =	simm.s32 $0x0  }
0xf: {  	s9 =	sadd.s32 s6, s2;
	s6 =	sshrl.u32 s20, $0x3;
	s26 =	sadd.s32 $0x15C00, s3  }
0x10: {  	s3 =	sadd.s32 $0x1E00, s3;
	s20 =	simm.s32 $0x5000;
	s2 =	sadd.s32 s6, s2  }
0x11: {  	s6 =	sshll.u32 s10, $0x6;
	s24 =	sadd.s32 $0x2200, s9;
	[dreg:$0x8] =	wrdreg s26  }
.Ltmp0:
0x12: {  	s25 =	sadd.s32 $0xBE40, s9;
	[dreg:$0x9] =	wrdreg s3;
	(pc) =	sbr.rel .LBB2_1-.Ltmp0, $4  }
0x13: {  	s26 =	simm.s32 $0x1;
	s3 =	simm.s32 $0x3;
	[dreg:$0x6] =	wrdreg s24  }
0x14: {  	s23 =	sor.u32 $0x1C0B, s6;
	[dreg:$0x7] =	wrdreg s25;
	s2 =	sadd.s32 $0x16000, s2  }
0x15: {  	s25 =	simm.s32 $0xC800;
	s24 =	simm.s32 $0x4;
	[dreg:$0x5] =	wrdreg s23  }
0x16: {  	[dreg:$0xa] =	wrdreg s2;
	s23 =	simm.s32 $0xA000;
	s2 =	simm.s32 $0x6  }
.LBB2_4:
0x17: {  	_ =	swait.ge [sflag:s16], $0x2800  }
0x18: {  	[sflag:s16] =	ssyncset.done $0x0  }
0x19: {  	[sflag:s16] =	ssyncadd.s32 $0xFFFFD800  }
0x1a: {  	[spmem:s4] =	stream.indirect.scatter.add.f32 [tilespmem:s29], [sflag:$0xA], $0x50, s10, s19, $0xb8;
	[tilespmem:$0x1E000] =	vst v63  }
0x1b: {  	_ =	swait.ge [sflag:s2], $0x2800  }
0x1c: {  	[sflag:s2] =	ssyncset.done $0x0  }
0x1d: {  	[sflag:s2] =	ssyncadd.s32 $0xFFFFD800  }
0x1e: {  	_ =	swait.ge [sflag:s17], $0x2800  }
0x1f: {  	[sflag:s17] =	ssyncset.done $0x0  }
0x20: {  	[sflag:s17] =	ssyncadd.s32 $0xFFFFD800  }
0x21: {  	_ =	swait.ge [sflag:s31], $0x2800  }
0x22: {  	[sflag:s31] =	ssyncset.done $0x0  }
0x23: {  	[sflag:s31] =	ssyncadd.s32 $0xFFFFD800  }
0x24: {  	_ =	swait.ge [sflag:s28], $0x2800  }
0x25: {  	[sflag:s28] =	ssyncset.done $0x0  }
0x26: {  	[sflag:s28] =	ssyncadd.s32 $0xFFFFD800  }
0x27: {  	_ =	swait.ge [sflag:s22], $0x2800  }
0x28: {  	[sflag:s22] =	ssyncset.done $0x0  }
0x29: {  	s7 =	sadd.s32 $0x1, s7;
	[sflag:s22] =	ssyncadd.s32 $0xFFFFD800  }
0x2a: {  	s8 =	sor.u32 $0x1C0C, s6;
	p0 =	sne.s32 s7, s13;
	[bflag:$0x0] =	sbarrier.arrive $0xFFFF  }
.Ltmp1:
0x2b: {  	s15 =	simm.s32 $0x10;
	s9 =	rddreg [dreg:$0xa];
	(pc) =	sbr.rel @!p0 .LBB2_5-.Ltmp1, $4  }
0x2c: {  	[hbm:s9@s15], [sflag:s8] =	dma.strided [spmem:s14@s22], $0x1900, s26, $0xa   }
0x2d: {  	_ =	swait.ge [sflag:s0], $0x1900  }
0x2e: {  	[sflag:s0] =	ssyncset.done $0x0  }
0x2f: {  	[sflag:s0] =	ssyncadd.s32 $0xFFFFE700  }
.LBB2_1:
0x30: {  	s8 =	rddreg [dreg:$0x2]  }
0x31: {  	s9 =	rddreg [dreg:$0x5]  }
0x32: {  	[spmem:s14], [sflag:s9] =	dma.local [hbm:s8], $0x1900  }
0x33: {  	s8 =	rddreg [dreg:$0x6]  }
0x34: {  	[tilespmem:s5], [sflag:$0xB] =	stream.linear.gather [hbm4b:s8+s5], $0x2710, $0x38;
	[tilespmem:$0x1E000] =	vst v63  }
0x35: {  	s9 =	simm.s32 $0x2800;
	s12 =	rddreg [dreg:$0x7]  }
0x36: {  	[tilespmem:s9], [sflag:$0xB] =	stream.linear.gather [hbm4b:s12+s5], $0x2710, $0x38;
	[tilespmem:$0x1E000] =	vst v63  }
0x37: {  	s10 =	simm.s32 $0x2710;
	s15 =	rddreg [dreg:$0x8]  }
0x38: {  	[tilespmem:s10], [sflag:$0xB] =	stream.linear.gather [hbm4b:s15+s5], $0xF0, $0x38;
	[tilespmem:$0x1E000] =	vst v63  }
0x39: {  	s11 =	simm.s32 $0x4F10;
	s10 =	rddreg [dreg:$0x9]  }
0x3a: {  	[tilespmem:s11], [sflag:$0xB] =	stream.linear.gather [hbm4b:s10+s5], $0xF0, $0x38;
	[tilespmem:$0x1E000] =	vst v63  }
0x3b: {  	_ =	swait.ge [sflag:s18], $0x1900  }
0x3c: {  	[sflag:s18] =	ssyncset.done $0x0  }
0x3d: {  	[sflag:s18] =	ssyncadd.s32 $0xFFFFE700  }
0x3e: {  	_ =	swait.ge [sflag:s18], $0x2710  }
0x3f: {  	[sflag:s18] =	ssyncset.done $0x0  }
0x40: {  	[sflag:s18] =	ssyncadd.s32 $0xFFFFD8F0  }
0x41: {  	_ =	swait.ge [sflag:s18], $0x2710  }
0x42: {  	[sflag:s18] =	ssyncset.done $0x0  }
0x43: {  	[sflag:s18] =	ssyncadd.s32 $0xFFFFD8F0  }
0x44: {  	_ =	swait.ge [sflag:s18], $0xF0  }
0x45: {  	[sflag:s18] =	ssyncset.done $0x0  }
0x46: {  	[sflag:s18] =	ssyncadd.s32 $0xFFFFFF10  }
0x47: {  	_ =	swait.ge [sflag:s18], $0xF0  }
0x48: {  	[sflag:s18] =	ssyncset.done $0x0  }
0x49: {  	[sflag:s18] =	ssyncadd.s32 $0xFFFFFF10  }
0x4a: {  	[bflag:$0x0] =	sbarrier.arrive $0xFFFF  }
0x4b: {  	[tilespmem:s20], [sflag:$0x1] =	stream.indirect.gather [hbm4b:s1+s19], $0x50, s5, s19, $0xb8;
	[tilespmem:$0x1E000] =	vst v63  }
0x4c: {  	_ = 	snop  }
0x4d: {  	[tilespmem:s21], [sflag:$0x2] =	stream.indirect.gather [hbm4b:s1+s19], $0x50, s19, s19, $0xb8;
	[tilespmem:$0x1E000] =	vst v63  }
0x4e: {  	s12 =	simm.s32 $0x100  }
0x4f: {  	[tilespmem:s23], [sflag:$0x3] =	stream.indirect.gather [hbm4b:s1+s19], $0x50, s12, s19, $0xb8;
	[tilespmem:$0x1E000] =	vst v63  }
0x50: {  	s15 =	simm.s32 $0x180  }
0x51: {  	[tilespmem:s25], [sflag:$0x4] =	stream.indirect.gather [hbm4b:s1+s19], $0x50, s15, s19, $0xb8;
	[tilespmem:$0x1E000] =	vst v63  }
0x52: {  	_ =	swait.ge [sflag:s26], $0x2800  }
0x53: {  	[sflag:s26] =	ssyncset.done $0x0  }
0x54: {  	[sflag:s26] =	ssyncadd.s32 $0xFFFFD800  }
0x55: {  	[spmem:s4] =	stream.indirect.scatter.add.f32 [tilespmem:s20], [sflag:$0x6], $0x50, s9, s19, $0xb8;
	[tilespmem:$0x1E000] =	vst v63  }
0x56: {  	s10 =	simm.s32 $0x200  }
0x57: {  	[tilespmem:s29], [sflag:$0x5] =	stream.indirect.gather [hbm4b:s1+s19], $0x50, s10, s19, $0xb8;
	[tilespmem:$0x1E000] =	vst v63  }
0x58: {  	_ =	swait.ge [sflag:s30], $0x2800  }
0x59: {  	[sflag:s30] =	ssyncset.done $0x0  }
0x5a: {  	s11 =	simm.s32 $0x2880;
	[sflag:s30] =	ssyncadd.s32 $0xFFFFD800  }
0x5b: {  	[spmem:s4] =	stream.indirect.scatter.add.f32 [tilespmem:s21], [sflag:$0x7], $0x50, s11, s19, $0xb8;
	[tilespmem:$0x1E000] =	vst v63  }
0x5c: {  	_ =	swait.ge [sflag:s2], $0x2800  }
0x5d: {  	[sflag:s2] =	ssyncset.done $0x0  }
0x5e: {  	s12 =	simm.s32 $0x280;
	[sflag:s2] =	ssyncadd.s32 $0xFFFFD800  }
0x5f: {  	[tilespmem:s20], [sflag:$0x1] =	stream.indirect.gather [hbm4b:s1+s19], $0x50, s12, s19, $0xb8;
	[tilespmem:$0x1E000] =	vst v63  }
0x60: {  	_ =	swait.ge [sflag:s3], $0x2800  }
0x61: {  	[sflag:s3] =	ssyncset.done $0x0  }
0x62: {  	s15 =	simm.s32 $0x2900;
	[sflag:s3] =	ssyncadd.s32 $0xFFFFD800  }
0x63: {  	[spmem:s4] =	stream.indirect.scatter.add.f32 [tilespmem:s23], [sflag:$0x8], $0x50, s15, s19, $0xb8;
	[tilespmem:$0x1E000] =	vst v63  }
0x64: {  	_ =	swait.ge [sflag:s17], $0x2800  }
0x65: {  	[sflag:s17] =	ssyncset.done $0x0  }
0x66: {  	s9 =	simm.s32 $0x300;
	[sflag:s17] =	ssyncadd.s32 $0xFFFFD800  }
0x67: {  	[tilespmem:s21], [sflag:$0x2] =	stream.indirect.gather [hbm4b:s1+s19], $0x50, s9, s19, $0xb8;
	[tilespmem:$0x1E000] =	vst v63  }
0x68: {  	_ =	swait.ge [sflag:s24], $0x2800  }
0x69: {  	[sflag:s24] =	ssyncset.done $0x0  }
0x6a: {  	s10 =	simm.s32 $0x2980;
	[sflag:s24] =	ssyncadd.s32 $0xFFFFD800  }
0x6b: {  	[spmem:s4] =	stream.indirect.scatter.add.f32 [tilespmem:s25], [sflag:$0x9], $0x50, s10, s19, $0xb8;
	[tilespmem:$0x1E000] =	vst v63  }
0x6c: {  	_ =	swait.ge [sflag:s31], $0x2800  }
0x6d: {  	[sflag:s31] =	ssyncset.done $0x0  }
0x6e: {  	s11 =	simm.s32 $0x380;
	[sflag:s31] =	ssyncadd.s32 $0xFFFFD800  }
0x6f: {  	[tilespmem:s23], [sflag:$0x3] =	stream.indirect.gather [hbm4b:s1+s19], $0x50, s11, s19, $0xb8;
	[tilespmem:$0x1E000] =	vst v63  }
0x70: {  	_ =	swait.ge [sflag:s16], $0x2800  }
0x71: {  	[sflag:s16] =	ssyncset.done $0x0  }
0x72: {  	s12 =	simm.s32 $0x2A00;
	[sflag:s16] =	ssyncadd.s32 $0xFFFFD800  }
0x73: {  	[spmem:s4] =	stream.indirect.scatter.add.f32 [tilespmem:s29], [sflag:$0xA], $0x50, s12, s19, $0xb8;
	[tilespmem:$0x1E000] =	vst v63  }
0x74: {  	_ =	swait.ge [sflag:s28], $0x2800  }
0x75: {  	[sflag:s28] =	ssyncset.done $0x0  }
0x76: {  	s8 =	simm.s32 $0x0;
	s15 =	simm.s32 $0x400;
	[sflag:s28] =	ssyncadd.s32 $0xFFFFD800  }
0x77: {  	[tilespmem:s25], [sflag:$0x4] =	stream.indirect.gather [hbm4b:s1+s19], $0x50, s15, s19, $0xb8;
	[tilespmem:$0x1E000] =	vst v63  }
.LBB2_2:
0x78: {  	_ =	swait.ge [sflag:s26], $0x2800  }
0x79: {  	s9 =	sshra.s32 s8, $0x2;
	[sflag:s26] =	ssyncset.done $0x0  }
0x7a: {  	s10 =	sadd.s32 $0x2A80, s9;
	[sflag:s26] =	ssyncadd.s32 $0xFFFFD800  }
0x7b: {  	[spmem:s4] =	stream.indirect.scatter.add.f32 [tilespmem:s20], [sflag:$0x6], $0x50, s10, s19, $0xb8;
	[tilespmem:$0x1E000] =	vst v63  }
0x7c: {  	_ =	swait.ge [sflag:s22], $0x2800  }
0x7d: {  	[sflag:s22] =	ssyncset.done $0x0  }
0x7e: {  	s11 =	sadd.s32 $0x480, s9;
	[sflag:s22] =	ssyncadd.s32 $0xFFFFD800  }
0x7f: {  	[tilespmem:s29], [sflag:$0x5] =	stream.indirect.gather [hbm4b:s1+s19], $0x50, s11, s19, $0xb8;
	[tilespmem:$0x1E000] =	vst v63  }
0x80: {  	_ =	swait.ge [sflag:s30], $0x2800  }
0x81: {  	p0 =	seq.s32 s8, $0x8C00;
	[sflag:s30] =	ssyncset.done $0x0  }
0x82: {  	s12 =	sadd.s32 $0x2B00, s9;
	s10 =	simm.s32 @p0 $0x3;
	[sflag:s30] =	ssyncadd.s32 $0xFFFFD800  }
0x83: {  	[spmem:s4] =	stream.indirect.scatter.add.f32 [tilespmem:s21], [sflag:$0x7], $0x50, s12, s19, $0xb8;
	[tilespmem:$0x1E000] =	vst v63  }
0x84: {  	_ =	swait.ge @p0 [sflag:s10], $0x2800  }
0x85: {  	[sflag:s10] =	ssyncset.done @p0 $0x0  }
0x86: {  	[sflag:s10] =	ssyncadd.s32 @p0 $0xFFFFD800;
	s10 =	sshra.s32 @p0 s8, $0x2  }
0x87: {  	s15 =	simm.s32 @p0 $0xA000;
	s11 =	simm.s32 @p0 $0x80;
	s10 =	sadd.s32 @p0 $0x2B80, s10  }
0x88: {  	[spmem:s4] =	stream.indirect.scatter.add.f32 @p0 [tilespmem:s15], [sflag:$0x8], $0x50, s10, s11, $0xb8;
	[tilespmem:$0x1E000] =	vst v63  }
0x89: {  	s10 =	simm.s32 @!p0 $0x6  }
0x8a: {  	_ =	swait.ge @!p0 [sflag:s10], $0x2800  }
0x8b: {  	[sflag:s10] =	ssyncset.done @!p0 $0x0  }
0x8c: {  	[sflag:s10] =	ssyncadd.s32 @!p0 $0xFFFFD800;
	s10 =	sshra.s32 @!p0 s8, $0x2  }
0x8d: {  	s12 =	simm.s32 @!p0 $0x5000;
	s15 =	simm.s32 @!p0 $0x80;
	s11 =	sadd.s32 @!p0 $0x500, s10  }
0x8e: {  	[tilespmem:s12], [sflag:$0x1] =	stream.indirect.gather @!p0 [hbm4b:s1+s15], $0x50, s11, s15, $0xb8;
	[tilespmem:$0x1E000] =	vst v63  }
0x8f: {  	s11 =	simm.s32 @!p0 $0x3  }
0x90: {  	_ =	swait.ge @!p0 [sflag:s11], $0x2800  }
0x91: {  	[sflag:s11] =	ssyncset.done @!p0 $0x0  }
0x92: {  	s12 =	simm.s32 @!p0 $0xA000;
	[sflag:s11] =	ssyncadd.s32 @!p0 $0xFFFFD800;
	s11 =	sadd.s32 @!p0 $0x2B80, s10  }
0x93: {  	[spmem:s4] =	stream.indirect.scatter.add.f32 @!p0 [tilespmem:s12], [sflag:$0x8], $0x50, s11, s15, $0xb8;
	[tilespmem:$0x1E000] =	vst v63  }
0x94: {  	s11 =	simm.s32 @!p0 $0x7  }
0x95: {  	_ =	swait.ge @!p0 [sflag:s11], $0x2800  }
0x96: {  	[sflag:s11] =	ssyncset.done @!p0 $0x0  }
0x97: {  	s10 =	sadd.s32 @!p0 $0x580, s10;
	[sflag:s11] =	ssyncadd.s32 @!p0 $0xFFFFD800;
	s11 =	simm.s32 @!p0 $0x7800  }
0x98: {  	[tilespmem:s11], [sflag:$0x2] =	stream.indirect.gather @!p0 [hbm4b:s1+s15], $0x50, s10, s15, $0xb8;
	[tilespmem:$0x1E000] =	vst v63  }
.Ltmp2:
0x99: {  	_ = 	snop;
	(pc) =	sbr.rel @p0 .LBB2_4-.Ltmp2, $4  }
0x9a: {  	_ =	swait.ge [sflag:s24], $0x2800  }
0x9b: {  	[sflag:s24] =	ssyncset.done $0x0  }
0x9c: {  	s15 =	sadd.s32 $0x2C00, s9;
	s10 =	sadd.s32 $0x2C80, s9;
	[sflag:s24] =	ssyncadd.s32 $0xFFFFD800  }
0x9d: {  	[spmem:s4] =	stream.indirect.scatter.add.f32 [tilespmem:s25], [sflag:$0x9], $0x50, s15, s19, $0xb8;
	[tilespmem:$0x1E000] =	vst v63  }
0x9e: {  	_ =	swait.ge [sflag:s31], $0x2800  }
0x9f: {  	[sflag:s31] =	ssyncset.done $0x0  }
0xa0: {  	s11 =	sadd.s32 $0x600, s9;
	[sflag:s31] =	ssyncadd.s32 $0xFFFFD800  }
0xa1: {  	[tilespmem:s23], [sflag:$0x3] =	stream.indirect.gather [hbm4b:s1+s19], $0x50, s11, s19, $0xb8;
	[tilespmem:$0x1E000] =	vst v63  }
0xa2: {  	_ =	swait.ge [sflag:s16], $0x2800  }
0xa3: {  	[sflag:s16] =	ssyncset.done $0x0  }
0xa4: {  	[sflag:s16] =	ssyncadd.s32 $0xFFFFD800  }
0xa5: {  	[spmem:s4] =	stream.indirect.scatter.add.f32 [tilespmem:s29], [sflag:$0xA], $0x50, s10, s19, $0xb8;
	[tilespmem:$0x1E000] =	vst v63  }
.Ltmp3:
0xa6: {  	_ = 	snop;
	(pc) =	sbr.rel .LBB2_2-.Ltmp3, $4  }
0xa7: {  	_ =	swait.ge [sflag:s28], $0x2800  }
0xa8: {  	[sflag:s28] =	ssyncset.done $0x0  }
0xa9: {  	s15 =	sadd.s32 $0x680, s9;
	s8 =	sadd.s32 $0xA00, s8;
	[sflag:s28] =	ssyncadd.s32 $0xFFFFD800  }
0xaa: {  	[tilespmem:s25], [sflag:$0x4] =	stream.indirect.gather [hbm4b:s1+s19], $0x50, s15, s19, $0xb8;
	[tilespmem:$0x1E000] =	vst v63  }
.LBB2_5:
0xab: {  	_ =	sfence.sel $0x180000  }
0xac: {  	[bflag:$0x0] =	sbarrier.arrive $0xFFFF  }
0xad: {  	_ =	strace $0x90000047  }
0xae: {  	s0 =	stileid.u32;
	[bflag:$0x2] =	sbarrier.arrive $0xFFFF  }
0xaf: {  	p0 =	sne.s32 s0, $0x0;
	s0 =	rddreg [dreg:$0x4]  }
0xb0: {  	s0 =	sadd.s32 @!p0 $0x100000, s0  }
0xb1: {  	[sflag:s0] =	ssyncadd.tile.s32 @!p0 $0x1;
	_ =	shalt  }
.Lfunc_end2:
_tile_overlayer_lowered:
.L_overlay_start_2:
0xb2: {  	(tag) =	ssettag $0x2  }
0xb3: {  	s0 =	rddreg [dreg:$0x0];
	s2 =	stileid.u32  }
0xb4: {  	s1 =	rddreg [dreg:$0x1];
	p0 =	sne.s32 s2, $0x0  }
0xb5: {  	s3 =	rddreg [dreg:$0x2];
	[bflag:$0x3] =	sbarrier.arrive $0xFFFF;
	s2 =	simm.s32 @!p0 $0x1C0C  }
0xb6: {  	[timem:s3], [sflag:s2] =	dma.local @!p0 [hbm:s0], s1  }
0xb7: {  	s0 =	simm.s32 @!p0 $0xC  }
0xb8: {  	_ =	swait.ge @!p0 [sflag:s0], s1  }
0xb9: {  	s1 =	ssub.s32 @!p0 $0x0, s1;
	[sflag:s0] =	ssyncset.done @!p0 $0x0  }
0xba: {  	[sflag:s0] =	ssyncadd.s32 @!p0 s1  }
0xbb: {  	[bflag:$0x3] =	sbarrier.arrive $0xFFFF  }
0xbc: {  	_ =	shalt  }

</sc_bundles>
